<compile_context>
chip_gen: v7x
topology: tpu7x:2x2x1
jax: 0.10.2.dev20260603
libtpu: 0.0.44.dev20260713+nightly
codegen_flags: <defaults>
</compile_context>

<pallas_src>
import functools
import math

import jax
import jax.numpy as jnp
from jax import lax
from jax.experimental import pallas as pl
from jax.experimental.pallas import tpu as pltpu
from jax.experimental.pallas import tpu_sc as plsc

_SQRT_HALF = math.sqrt(0.5)


def _gelu_exact(v):
    return 0.5 * v * (1.0 + lax.erf(v * _SQRT_HALF))


def _dot(a, b, dims=None):
    if dims is None:
        return jnp.dot(a, b, preferred_element_type=jnp.float32)
    return lax.dot_general(a, b, (dims, ((), ())),
                           preferred_element_type=jnp.float32)



def _cb_body(cb_ref, w3_ref, b3_ref, w4_ref, b4_ref, cn_ref, g_ref):
    cb = cb_ref[...]
    n = jnp.sqrt(jnp.sum(cb * cb, axis=1, keepdims=True))
    cn = cb / jnp.clip(n, 1e-12, None)
    cn_ref[...] = cn
    hh = _dot(cn, w3_ref[...]) + b3_ref[...]
    hh = _gelu_exact(hh)
    g_ref[...] = _dot(hh, w4_ref[...]) + b4_ref[...]


def _codebook_prep(codebook, W3, b3, W4, b4, kb):
    K, D = codebook.shape
    H = W3.shape[1]
    Dout = W4.shape[1]
    return pl.pallas_call(
        _cb_body,
        grid=(K // kb,),
        in_specs=[
            pl.BlockSpec((kb, D), lambda t: (t, 0)),
            pl.BlockSpec((D, H), lambda t: (0, 0)),
            pl.BlockSpec((1, H), lambda t: (0, 0)),
            pl.BlockSpec((H, Dout), lambda t: (0, 0)),
            pl.BlockSpec((1, Dout), lambda t: (0, 0)),
        ],
        out_specs=[
            pl.BlockSpec((kb, D), lambda t: (t, 0)),
            pl.BlockSpec((kb, Dout), lambda t: (t, 0)),
        ],
        out_shape=[
            jax.ShapeDtypeStruct((K, D), jnp.float32),
            jax.ShapeDtypeStruct((K, Dout), jnp.float32),
        ],
        compiler_params=pltpu.CompilerParams(
            dimension_semantics=("arbitrary",)),
    )(codebook, W3, b3.reshape(1, H), W4, b4.reshape(1, Dout))



def _enc_body(x_ref, w1_ref, b1_ref, w2_ref, b2_ref, cn_ref,
              ind_ref, acc_ref, *, kb, n_kb):
    t = pl.program_id(0)
    h1 = _dot(x_ref[...], w1_ref[...]) + b1_ref[...]
    h1 = _gelu_exact(h1)
    h = _dot(h1, w2_ref[...]) + b2_ref[...]
    T = h.shape[0]

    hsq = jnp.sum(h * h, axis=1, keepdims=True)
    hc = jnp.clip(jnp.sqrt(hsq), 1e-12, None)
    xn = h / hc

    mx = jnp.full((1, T), -jnp.inf, dtype=jnp.float32)
    ind = jnp.zeros((1, T), dtype=jnp.int32)
    for k in range(n_kb):
        cnb = cn_ref[pl.ds(k * kb, kb), :]
        s = _dot(cnb, xn, dims=((1,), (1,)))
        bm = jnp.max(s, axis=0, keepdims=True)
        iota = lax.broadcasted_iota(jnp.int32, (kb, T), 0)
        bi = jnp.min(jnp.where(s == bm, iota, kb),
                     axis=0, keepdims=True)
        upd = bm > mx
        mx = jnp.where(upd, bm, mx)
        ind = jnp.where(upd, bi + k * kb, ind)

    ind_ref[...] = ind.reshape(1, 1, T)
    qh = _dot(mx, hc)[0, 0]
    part = jnp.sum(hsq) - 2.0 * qh

    @pl.when(t == 0)
    def _init():
        acc_ref[0, 0] = 0.0

    acc_ref[0, 0] += part


def _encode_argmax(xf, W1, b1, W2, b2, cn, tb, kb):
    N, Din = xf.shape
    H = W1.shape[1]
    D = W2.shape[1]
    K = cn.shape[0]
    nt = N // tb
    body = functools.partial(_enc_body, kb=kb, n_kb=K // kb)
    return pl.pallas_call(
        body,
        grid=(nt,),
        in_specs=[
            pl.BlockSpec((tb, Din), lambda t: (t, 0)),
            pl.BlockSpec((Din, H), lambda t: (0, 0)),
            pl.BlockSpec((1, H), lambda t: (0, 0)),
            pl.BlockSpec((H, D), lambda t: (0, 0)),
            pl.BlockSpec((1, D), lambda t: (0, 0)),
            pl.BlockSpec((K, D), lambda t: (0, 0)),
        ],
        out_specs=[
            pl.BlockSpec((1, 1, tb), lambda t: (t, 0, 0)),
            pl.BlockSpec((1, 1), lambda t: (0, 0),
                         memory_space=pltpu.SMEM),
        ],
        out_shape=[
            jax.ShapeDtypeStruct((nt, 1, tb), jnp.int32),
            jax.ShapeDtypeStruct((1, 1), jnp.float32),
        ],
        compiler_params=pltpu.CompilerParams(
            dimension_semantics=("arbitrary",)),
    )(xf, W1, b1.reshape(1, H), W2, b2.reshape(1, D), cn)



def _sc_gather(G, ind, n_chunks):
    K, Dout = G.shape
    (N,) = ind.shape
    info = plsc.get_sparse_core_info()
    NC, NS = info.num_cores, info.num_subcores
    NW = NC * NS
    b_per_w = N // NW
    ch = b_per_w // n_chunks
    mesh = plsc.VectorSubcoreMesh(core_axis_name="c", subcore_axis_name="s")

    @functools.partial(
        pl.kernel, mesh=mesh,
        out_type=jax.ShapeDtypeStruct((N, Dout), jnp.float32),
        scratch_types=[
            pltpu.VMEM((ch,), jnp.int32),
            pltpu.VMEM((ch, Dout), jnp.float32),
            pltpu.SemaphoreType.DMA,
        ],
    )
    def k(g_hbm, idx_hbm, out_hbm, idx_v, rows_v, sem):
        wid = lax.axis_index("s") * NC + lax.axis_index("c")
        base = wid * b_per_w
        for c in range(n_chunks):
            off = base + c * ch
            pltpu.sync_copy(idx_hbm.at[pl.ds(off, ch)], idx_v)
            pltpu.async_copy(g_hbm.at[idx_v], rows_v, sem).wait()
            pltpu.sync_copy(rows_v, out_hbm.at[pl.ds(off, ch)])

    return k(G, ind)



def kernel(x, W1, b1, W2, b2, codebook, W3, b3, W4, b4):
    B, S, Din = x.shape
    N = B * S
    K, D = codebook.shape
    Dout = W4.shape[1]

    xf = x.reshape(N, Din)
    cn, G = _codebook_prep(codebook, W3, b3, W4, b4, kb=1024)
    ind3, acc = _encode_argmax(xf, W1, b1, W2, b2, cn, tb=1024, kb=512)
    ind = ind3.reshape(N)
    o = _sc_gather(G, ind, n_chunks=4)
    nsq = jnp.sum(cn * cn, axis=1)
    loss = (jnp.sum(jnp.take(nsq, ind)) + acc[0, 0]) / jnp.float32(N * D)
    return o.reshape(B, S, Dout), loss

# --- scband reference (transcript-rebuilt; emitter-appended) ---
"""Pipeline reference for scband-mlpvector-quantize-encoder-35098472743393 (READ-ONLY COPY).

The authoritative reference and input builder live on the scoring server;
editing this copy changes nothing except your own understanding.
"""

import jax, jax.numpy as jnp
import numpy as np


def l2norm(t, eps=1e-12):
    n = jnp.linalg.norm(t, axis=-1, keepdims=True)
    return t / jnp.clip(n, eps, None)


def setup_inputs(seed: int = 0) -> dict:
    key = jax.random.key(seed)
    ks = jax.random.split(key, 12)
    B, S = 32, 576
    Din, D, Dout, K = 768, 512, 768, 4096
    H = D * 4  # 2048

    def init_w(k, shape, fan_in):
        return (jax.random.normal(k, shape, dtype=jnp.float32) / np.sqrt(fan_in)).astype(jnp.float32)

    x = jax.random.normal(ks[0], (B, S, Din), dtype=jnp.float32)
    W1 = init_w(ks[1], (Din, H), Din)
    b1 = jnp.zeros((H,), dtype=jnp.float32)
    W2 = init_w(ks[2], (H, D), H)
    b2 = jnp.zeros((D,), dtype=jnp.float32)
    codebook = jax.random.normal(ks[3], (K, D), dtype=jnp.float32)
    W3 = init_w(ks[4], (D, H), D)
    b3 = jnp.zeros((H,), dtype=jnp.float32)
    W4 = init_w(ks[5], (H, Dout), H)
    b4 = jnp.zeros((Dout,), dtype=jnp.float32)
    return {"x": x, "W1": W1, "b1": b1, "W2": W2, "b2": b2,
            "codebook": codebook, "W3": W3, "b3": b3, "W4": W4, "b4": b4}


def reference(x, W1, b1, W2, b2, codebook, W3, b3, W4, b4):
    # mlp_in: Linear -> GELU (exact) -> Linear
    h = jnp.einsum('bsd,dh->bsh', x, W1) + b1
    h = jax.nn.gelu(h, approximate=False)
    h = jnp.einsum('bsh,hd->bsd', h, W2) + b2

    # VectorQuantize with use_cosine_sim=True (CosineSimCodebook):
    # normalize inputs and codebook, take argmax cosine similarity
    xn = l2norm(h)
    cn = l2norm(codebook)
    sim = jnp.einsum('bsd,kd->bsk', xn, cn)
    embed_ind = jnp.argmax(sim, axis=-1)            # [B, S]
    quantized = jnp.take(cn, embed_ind, axis=0)     # [B, S, D] (normalized codes)

    # commitment loss: mse(quantize.detach(), x)
    loss = jnp.mean((jax.lax.stop_gradient(quantized) - h) ** 2)

    # straight-through estimator
    q_st = h + jax.lax.stop_gradient(quantized - h)

    # mlp_out: Linear -> GELU (exact) -> Linear
    o = jnp.einsum('bsd,dh->bsh', q_st, W3) + b3
    o = jax.nn.gelu(o, approximate=False)
    o = jnp.einsum('bsh,hd->bsd', o, W4) + b4
    return o, loss

if __name__ == "__main__":
    import jax
    _d = setup_inputs()
    print(jax.jit(kernel)(*tuple(_d.values())))

</pallas_src>

<mosaic_0001>
#map = affine_map<(d0, d1) -> (0, 0)>
#map1 = affine_map<(d0, d1) -> (0)>
module attributes {stable_mosaic.version = 14 : i64} {
  func.func @k(%arg0: i32, %arg1: i32, %arg2: memref<4096x768xf32, #tpu.memory_space<hbm>>, %arg3: memref<18432xi32, #tpu.memory_space<hbm>>, %arg4: memref<18432x768xf32, #tpu.memory_space<hbm>>, %arg5: memref<144xi32, #tpu.memory_space<vmem>>, %arg6: memref<144x768xf32, #tpu.memory_space<vmem>>, %arg7: memref<!tpu.dma_semaphore, #tpu.memory_space<semaphore_mem>>) attributes {dimension_semantics = [#tpu.dimension_semantics<core_parallel>, #tpu.dimension_semantics<subcore_parallel>], iteration_bounds = array<i64: 2, 16>, scalar_prefetch = 0 : i64, scratch_operands = 3 : i64, tpu.core_type = #tpu.core_type<sc_vector_subcore>, window_params = [{transform_indices = #map}, {transform_indices = #map1}, {transform_indices = #map}]} {
    %mul3A = arith.constant 2 : i32
    %mul3A_0 = arith.muli %arg1, %mul3A : i32
    %add3A = arith.addi %mul3A_0, %arg0 : i32
    %mul3A_1 = arith.constant 576 : i32
    %mul3A_2 = arith.muli %add3A, %mul3A_1 : i32
    %add3A_3 = arith.constant 0 : i32
    %add3A_4 = arith.addi %mul3A_2, %add3A_3 : i32
    "tpu.region"() ({
      %run_scoped3A = tpu.sem_alloc : memref<!tpu.dma_semaphore, #tpu.memory_space<semaphore_mem>>
      %dma_start3A_33 = tpu.memref_slice %arg3[%add3A_4] : memref<18432xi32, #tpu.memory_space<hbm>> -> memref<144xi32, #tpu.memory_space<hbm>>
      %dma_start3A_34 = tpu.memref_slice %arg3[%add3A_4] : memref<18432xi32, #tpu.memory_space<hbm>> -> memref<144xi32, #tpu.memory_space<hbm>>
      tpu.enqueue_dma source(%dma_start3A_34 : memref<144xi32, #tpu.memory_space<hbm>>) target(%arg5 : memref<144xi32, #tpu.memory_space<vmem>>) target_semaphore(%run_scoped3A : memref<!tpu.dma_semaphore, #tpu.memory_space<semaphore_mem>>)
      %dma_wait3A_35 = tpu.memref_slice %arg3[%add3A_4] : memref<18432xi32, #tpu.memory_space<hbm>> -> memref<144xi32, #tpu.memory_space<hbm>>
      %dma_wait3A_36 = tpu.memref_slice %arg3[%add3A_4] : memref<18432xi32, #tpu.memory_space<hbm>> -> memref<144xi32, #tpu.memory_space<hbm>>
      tpu.wait_dma2 semaphore(%run_scoped3A : memref<!tpu.dma_semaphore, #tpu.memory_space<semaphore_mem>>) src(%dma_wait3A_36 : memref<144xi32, #tpu.memory_space<hbm>>) dst(%arg5 : memref<144xi32, #tpu.memory_space<vmem>>)
      tpu.yield
    }) : () -> ()
    %dma_start3A = arith.constant 0 : i32
    %dma_start3A_5 = arith.constant 0 : i32
    %dma_start3A_6 = tpu.memref_slice %arg2[%dma_start3A, %dma_start3A_5] : memref<4096x768xf32, #tpu.memory_space<hbm>> -> memref<4096x768xf32, #tpu.memory_space<hbm>>
    tpu.enqueue_indirect_dma source(%dma_start3A_6 : memref<4096x768xf32, #tpu.memory_space<hbm>>) target(%arg6 : memref<144x768xf32, #tpu.memory_space<vmem>>) offsets(%arg5 : memref<144xi32, #tpu.memory_space<vmem>>) semaphore(%arg7 : memref<!tpu.dma_semaphore, #tpu.memory_space<semaphore_mem>>)
    %dma_wait3A = arith.constant 0 : i32
    %dma_wait3A_7 = arith.constant 0 : i32
    %dma_wait3A_8 = tpu.memref_slice %arg2[%dma_wait3A, %dma_wait3A_7] : memref<4096x768xf32, #tpu.memory_space<hbm>> -> memref<4096x768xf32, #tpu.memory_space<hbm>>
    tpu.wait_indirect_dma semaphore(%arg7 : memref<!tpu.dma_semaphore, #tpu.memory_space<semaphore_mem>>) src(%dma_wait3A_8 : memref<4096x768xf32, #tpu.memory_space<hbm>>) dst(%arg6 : memref<144x768xf32, #tpu.memory_space<vmem>>)
    "tpu.region"() ({
      %run_scoped3A = tpu.sem_alloc : memref<!tpu.dma_semaphore, #tpu.memory_space<semaphore_mem>>
      %dma_start3A_33 = arith.constant 0 : i32
      %dma_start3A_34 = tpu.memref_slice %arg4[%add3A_4, %dma_start3A_33] : memref<18432x768xf32, #tpu.memory_space<hbm>> -> memref<144x768xf32, #tpu.memory_space<hbm>>
      %dma_start3A_35 = arith.constant 0 : i32
      %dma_start3A_36 = tpu.memref_slice %arg4[%add3A_4, %dma_start3A_35] : memref<18432x768xf32, #tpu.memory_space<hbm>> -> memref<144x768xf32, #tpu.memory_space<hbm>>
      tpu.enqueue_dma source(%arg6 : memref<144x768xf32, #tpu.memory_space<vmem>>) target(%dma_start3A_36 : memref<144x768xf32, #tpu.memory_space<hbm>>) target_semaphore(%run_scoped3A : memref<!tpu.dma_semaphore, #tpu.memory_space<semaphore_mem>>)
      %dma_wait3A_37 = arith.constant 0 : i32
      %dma_wait3A_38 = tpu.memref_slice %arg4[%add3A_4, %dma_wait3A_37] : memref<18432x768xf32, #tpu.memory_space<hbm>> -> memref<144x768xf32, #tpu.memory_space<hbm>>
      %dma_wait3A_39 = arith.constant 0 : i32
      %dma_wait3A_40 = tpu.memref_slice %arg4[%add3A_4, %dma_wait3A_39] : memref<18432x768xf32, #tpu.memory_space<hbm>> -> memref<144x768xf32, #tpu.memory_space<hbm>>
      tpu.wait_dma2 semaphore(%run_scoped3A : memref<!tpu.dma_semaphore, #tpu.memory_space<semaphore_mem>>) src(%arg6 : memref<144x768xf32, #tpu.memory_space<vmem>>) dst(%dma_wait3A_40 : memref<144x768xf32, #tpu.memory_space<hbm>>)
      tpu.yield
    }) : () -> ()
    %add3A_9 = arith.constant 144 : i32
    %add3A_10 = arith.addi %mul3A_2, %add3A_9 : i32
    "tpu.region"() ({
      %run_scoped3A = tpu.sem_alloc : memref<!tpu.dma_semaphore, #tpu.memory_space<semaphore_mem>>
      %dma_start3A_33 = tpu.memref_slice %arg3[%add3A_10] : memref<18432xi32, #tpu.memory_space<hbm>> -> memref<144xi32, #tpu.memory_space<hbm>>
      %dma_start3A_34 = tpu.memref_slice %arg3[%add3A_10] : memref<18432xi32, #tpu.memory_space<hbm>> -> memref<144xi32, #tpu.memory_space<hbm>>
      tpu.enqueue_dma source(%dma_start3A_34 : memref<144xi32, #tpu.memory_space<hbm>>) target(%arg5 : memref<144xi32, #tpu.memory_space<vmem>>) target_semaphore(%run_scoped3A : memref<!tpu.dma_semaphore, #tpu.memory_space<semaphore_mem>>)
      %dma_wait3A_35 = tpu.memref_slice %arg3[%add3A_10] : memref<18432xi32, #tpu.memory_space<hbm>> -> memref<144xi32, #tpu.memory_space<hbm>>
      %dma_wait3A_36 = tpu.memref_slice %arg3[%add3A_10] : memref<18432xi32, #tpu.memory_space<hbm>> -> memref<144xi32, #tpu.memory_space<hbm>>
      tpu.wait_dma2 semaphore(%run_scoped3A : memref<!tpu.dma_semaphore, #tpu.memory_space<semaphore_mem>>) src(%dma_wait3A_36 : memref<144xi32, #tpu.memory_space<hbm>>) dst(%arg5 : memref<144xi32, #tpu.memory_space<vmem>>)
      tpu.yield
    }) : () -> ()
    %dma_start3A_11 = arith.constant 0 : i32
    %dma_start3A_12 = arith.constant 0 : i32
    %dma_start3A_13 = tpu.memref_slice %arg2[%dma_start3A_11, %dma_start3A_12] : memref<4096x768xf32, #tpu.memory_space<hbm>> -> memref<4096x768xf32, #tpu.memory_space<hbm>>
    tpu.enqueue_indirect_dma source(%dma_start3A_13 : memref<4096x768xf32, #tpu.memory_space<hbm>>) target(%arg6 : memref<144x768xf32, #tpu.memory_space<vmem>>) offsets(%arg5 : memref<144xi32, #tpu.memory_space<vmem>>) semaphore(%arg7 : memref<!tpu.dma_semaphore, #tpu.memory_space<semaphore_mem>>)
    %dma_wait3A_14 = arith.constant 0 : i32
    %dma_wait3A_15 = arith.constant 0 : i32
    %dma_wait3A_16 = tpu.memref_slice %arg2[%dma_wait3A_14, %dma_wait3A_15] : memref<4096x768xf32, #tpu.memory_space<hbm>> -> memref<4096x768xf32, #tpu.memory_space<hbm>>
    tpu.wait_indirect_dma semaphore(%arg7 : memref<!tpu.dma_semaphore, #tpu.memory_space<semaphore_mem>>) src(%dma_wait3A_16 : memref<4096x768xf32, #tpu.memory_space<hbm>>) dst(%arg6 : memref<144x768xf32, #tpu.memory_space<vmem>>)
    "tpu.region"() ({
      %run_scoped3A = tpu.sem_alloc : memref<!tpu.dma_semaphore, #tpu.memory_space<semaphore_mem>>
      %dma_start3A_33 = arith.constant 0 : i32
      %dma_start3A_34 = tpu.memref_slice %arg4[%add3A_10, %dma_start3A_33] : memref<18432x768xf32, #tpu.memory_space<hbm>> -> memref<144x768xf32, #tpu.memory_space<hbm>>
      %dma_start3A_35 = arith.constant 0 : i32
      %dma_start3A_36 = tpu.memref_slice %arg4[%add3A_10, %dma_start3A_35] : memref<18432x768xf32, #tpu.memory_space<hbm>> -> memref<144x768xf32, #tpu.memory_space<hbm>>
      tpu.enqueue_dma source(%arg6 : memref<144x768xf32, #tpu.memory_space<vmem>>) target(%dma_start3A_36 : memref<144x768xf32, #tpu.memory_space<hbm>>) target_semaphore(%run_scoped3A : memref<!tpu.dma_semaphore, #tpu.memory_space<semaphore_mem>>)
      %dma_wait3A_37 = arith.constant 0 : i32
      %dma_wait3A_38 = tpu.memref_slice %arg4[%add3A_10, %dma_wait3A_37] : memref<18432x768xf32, #tpu.memory_space<hbm>> -> memref<144x768xf32, #tpu.memory_space<hbm>>
      %dma_wait3A_39 = arith.constant 0 : i32
      %dma_wait3A_40 = tpu.memref_slice %arg4[%add3A_10, %dma_wait3A_39] : memref<18432x768xf32, #tpu.memory_space<hbm>> -> memref<144x768xf32, #tpu.memory_space<hbm>>
      tpu.wait_dma2 semaphore(%run_scoped3A : memref<!tpu.dma_semaphore, #tpu.memory_space<semaphore_mem>>) src(%arg6 : memref<144x768xf32, #tpu.memory_space<vmem>>) dst(%dma_wait3A_40 : memref<144x768xf32, #tpu.memory_space<hbm>>)
      tpu.yield
    }) : () -> ()
    %add3A_17 = arith.constant 288 : i32
    %add3A_18 = arith.addi %mul3A_2, %add3A_17 : i32
    "tpu.region"() ({
      %run_scoped3A = tpu.sem_alloc : memref<!tpu.dma_semaphore, #tpu.memory_space<semaphore_mem>>
      %dma_start3A_33 = tpu.memref_slice %arg3[%add3A_18] : memref<18432xi32, #tpu.memory_space<hbm>> -> memref<144xi32, #tpu.memory_space<hbm>>
      %dma_start3A_34 = tpu.memref_slice %arg3[%add3A_18] : memref<18432xi32, #tpu.memory_space<hbm>> -> memref<144xi32, #tpu.memory_space<hbm>>
      tpu.enqueue_dma source(%dma_start3A_34 : memref<144xi32, #tpu.memory_space<hbm>>) target(%arg5 : memref<144xi32, #tpu.memory_space<vmem>>) target_semaphore(%run_scoped3A : memref<!tpu.dma_semaphore, #tpu.memory_space<semaphore_mem>>)
      %dma_wait3A_35 = tpu.memref_slice %arg3[%add3A_18] : memref<18432xi32, #tpu.memory_space<hbm>> -> memref<144xi32, #tpu.memory_space<hbm>>
      %dma_wait3A_36 = tpu.memref_slice %arg3[%add3A_18] : memref<18432xi32, #tpu.memory_space<hbm>> -> memref<144xi32, #tpu.memory_space<hbm>>
      tpu.wait_dma2 semaphore(%run_scoped3A : memref<!tpu.dma_semaphore, #tpu.memory_space<semaphore_mem>>) src(%dma_wait3A_36 : memref<144xi32, #tpu.memory_space<hbm>>) dst(%arg5 : memref<144xi32, #tpu.memory_space<vmem>>)
      tpu.yield
    }) : () -> ()
    %dma_start3A_19 = arith.constant 0 : i32
    %dma_start3A_20 = arith.constant 0 : i32
    %dma_start3A_21 = tpu.memref_slice %arg2[%dma_start3A_19, %dma_start3A_20] : memref<4096x768xf32, #tpu.memory_space<hbm>> -> memref<4096x768xf32, #tpu.memory_space<hbm>>
    tpu.enqueue_indirect_dma source(%dma_start3A_21 : memref<4096x768xf32, #tpu.memory_space<hbm>>) target(%arg6 : memref<144x768xf32, #tpu.memory_space<vmem>>) offsets(%arg5 : memref<144xi32, #tpu.memory_space<vmem>>) semaphore(%arg7 : memref<!tpu.dma_semaphore, #tpu.memory_space<semaphore_mem>>)
    %dma_wait3A_22 = arith.constant 0 : i32
    %dma_wait3A_23 = arith.constant 0 : i32
    %dma_wait3A_24 = tpu.memref_slice %arg2[%dma_wait3A_22, %dma_wait3A_23] : memref<4096x768xf32, #tpu.memory_space<hbm>> -> memref<4096x768xf32, #tpu.memory_space<hbm>>
    tpu.wait_indirect_dma semaphore(%arg7 : memref<!tpu.dma_semaphore, #tpu.memory_space<semaphore_mem>>) src(%dma_wait3A_24 : memref<4096x768xf32, #tpu.memory_space<hbm>>) dst(%arg6 : memref<144x768xf32, #tpu.memory_space<vmem>>)
    "tpu.region"() ({
      %run_scoped3A = tpu.sem_alloc : memref<!tpu.dma_semaphore, #tpu.memory_space<semaphore_mem>>
      %dma_start3A_33 = arith.constant 0 : i32
      %dma_start3A_34 = tpu.memref_slice %arg4[%add3A_18, %dma_start3A_33] : memref<18432x768xf32, #tpu.memory_space<hbm>> -> memref<144x768xf32, #tpu.memory_space<hbm>>
      %dma_start3A_35 = arith.constant 0 : i32
      %dma_start3A_36 = tpu.memref_slice %arg4[%add3A_18, %dma_start3A_35] : memref<18432x768xf32, #tpu.memory_space<hbm>> -> memref<144x768xf32, #tpu.memory_space<hbm>>
      tpu.enqueue_dma source(%arg6 : memref<144x768xf32, #tpu.memory_space<vmem>>) target(%dma_start3A_36 : memref<144x768xf32, #tpu.memory_space<hbm>>) target_semaphore(%run_scoped3A : memref<!tpu.dma_semaphore, #tpu.memory_space<semaphore_mem>>)
      %dma_wait3A_37 = arith.constant 0 : i32
      %dma_wait3A_38 = tpu.memref_slice %arg4[%add3A_18, %dma_wait3A_37] : memref<18432x768xf32, #tpu.memory_space<hbm>> -> memref<144x768xf32, #tpu.memory_space<hbm>>
      %dma_wait3A_39 = arith.constant 0 : i32
      %dma_wait3A_40 = tpu.memref_slice %arg4[%add3A_18, %dma_wait3A_39] : memref<18432x768xf32, #tpu.memory_space<hbm>> -> memref<144x768xf32, #tpu.memory_space<hbm>>
      tpu.wait_dma2 semaphore(%run_scoped3A : memref<!tpu.dma_semaphore, #tpu.memory_space<semaphore_mem>>) src(%arg6 : memref<144x768xf32, #tpu.memory_space<vmem>>) dst(%dma_wait3A_40 : memref<144x768xf32, #tpu.memory_space<hbm>>)
      tpu.yield
    }) : () -> ()
    %add3A_25 = arith.constant 432 : i32
    %add3A_26 = arith.addi %mul3A_2, %add3A_25 : i32
    "tpu.region"() ({
      %run_scoped3A = tpu.sem_alloc : memref<!tpu.dma_semaphore, #tpu.memory_space<semaphore_mem>>
      %dma_start3A_33 = tpu.memref_slice %arg3[%add3A_26] : memref<18432xi32, #tpu.memory_space<hbm>> -> memref<144xi32, #tpu.memory_space<hbm>>
      %dma_start3A_34 = tpu.memref_slice %arg3[%add3A_26] : memref<18432xi32, #tpu.memory_space<hbm>> -> memref<144xi32, #tpu.memory_space<hbm>>
      tpu.enqueue_dma source(%dma_start3A_34 : memref<144xi32, #tpu.memory_space<hbm>>) target(%arg5 : memref<144xi32, #tpu.memory_space<vmem>>) target_semaphore(%run_scoped3A : memref<!tpu.dma_semaphore, #tpu.memory_space<semaphore_mem>>)
      %dma_wait3A_35 = tpu.memref_slice %arg3[%add3A_26] : memref<18432xi32, #tpu.memory_space<hbm>> -> memref<144xi32, #tpu.memory_space<hbm>>
      %dma_wait3A_36 = tpu.memref_slice %arg3[%add3A_26] : memref<18432xi32, #tpu.memory_space<hbm>> -> memref<144xi32, #tpu.memory_space<hbm>>
      tpu.wait_dma2 semaphore(%run_scoped3A : memref<!tpu.dma_semaphore, #tpu.memory_space<semaphore_mem>>) src(%dma_wait3A_36 : memref<144xi32, #tpu.memory_space<hbm>>) dst(%arg5 : memref<144xi32, #tpu.memory_space<vmem>>)
      tpu.yield
    }) : () -> ()
    %dma_start3A_27 = arith.constant 0 : i32
    %dma_start3A_28 = arith.constant 0 : i32
    %dma_start3A_29 = tpu.memref_slice %arg2[%dma_start3A_27, %dma_start3A_28] : memref<4096x768xf32, #tpu.memory_space<hbm>> -> memref<4096x768xf32, #tpu.memory_space<hbm>>
    tpu.enqueue_indirect_dma source(%dma_start3A_29 : memref<4096x768xf32, #tpu.memory_space<hbm>>) target(%arg6 : memref<144x768xf32, #tpu.memory_space<vmem>>) offsets(%arg5 : memref<144xi32, #tpu.memory_space<vmem>>) semaphore(%arg7 : memref<!tpu.dma_semaphore, #tpu.memory_space<semaphore_mem>>)
    %dma_wait3A_30 = arith.constant 0 : i32
    %dma_wait3A_31 = arith.constant 0 : i32
    %dma_wait3A_32 = tpu.memref_slice %arg2[%dma_wait3A_30, %dma_wait3A_31] : memref<4096x768xf32, #tpu.memory_space<hbm>> -> memref<4096x768xf32, #tpu.memory_space<hbm>>
    tpu.wait_indirect_dma semaphore(%arg7 : memref<!tpu.dma_semaphore, #tpu.memory_space<semaphore_mem>>) src(%dma_wait3A_32 : memref<4096x768xf32, #tpu.memory_space<hbm>>) dst(%arg6 : memref<144x768xf32, #tpu.memory_space<vmem>>)
    "tpu.region"() ({
      %run_scoped3A = tpu.sem_alloc : memref<!tpu.dma_semaphore, #tpu.memory_space<semaphore_mem>>
      %dma_start3A_33 = arith.constant 0 : i32
      %dma_start3A_34 = tpu.memref_slice %arg4[%add3A_26, %dma_start3A_33] : memref<18432x768xf32, #tpu.memory_space<hbm>> -> memref<144x768xf32, #tpu.memory_space<hbm>>
      %dma_start3A_35 = arith.constant 0 : i32
      %dma_start3A_36 = tpu.memref_slice %arg4[%add3A_26, %dma_start3A_35] : memref<18432x768xf32, #tpu.memory_space<hbm>> -> memref<144x768xf32, #tpu.memory_space<hbm>>
      tpu.enqueue_dma source(%arg6 : memref<144x768xf32, #tpu.memory_space<vmem>>) target(%dma_start3A_36 : memref<144x768xf32, #tpu.memory_space<hbm>>) target_semaphore(%run_scoped3A : memref<!tpu.dma_semaphore, #tpu.memory_space<semaphore_mem>>)
      %dma_wait3A_37 = arith.constant 0 : i32
      %dma_wait3A_38 = tpu.memref_slice %arg4[%add3A_26, %dma_wait3A_37] : memref<18432x768xf32, #tpu.memory_space<hbm>> -> memref<144x768xf32, #tpu.memory_space<hbm>>
      %dma_wait3A_39 = arith.constant 0 : i32
      %dma_wait3A_40 = tpu.memref_slice %arg4[%add3A_26, %dma_wait3A_39] : memref<18432x768xf32, #tpu.memory_space<hbm>> -> memref<144x768xf32, #tpu.memory_space<hbm>>
      tpu.wait_dma2 semaphore(%run_scoped3A : memref<!tpu.dma_semaphore, #tpu.memory_space<semaphore_mem>>) src(%arg6 : memref<144x768xf32, #tpu.memory_space<vmem>>) dst(%dma_wait3A_40 : memref<144x768xf32, #tpu.memory_space<hbm>>)
      tpu.yield
    }) : () -> ()
    return
  }
}

module attributes {stable_mosaic.version = 14 : i64} {
  func.func @_enc_body(%arg0: i32, %arg1: memref<1024x768xf32, #tpu.memory_space<vmem>>, %arg2: memref<768x2048xf32, #tpu.memory_space<vmem>>, %arg3: memref<1x2048xf32, #tpu.memory_space<vmem>>, %arg4: memref<2048x512xf32, #tpu.memory_space<vmem>>, %arg5: memref<1x512xf32, #tpu.memory_space<vmem>>, %arg6: memref<4096x512xf32, #tpu.memory_space<vmem>>, %arg7: memref<1x1x1024xi32, #tpu.memory_space<vmem>>, %arg8: memref<1x1xf32, #tpu.memory_space<smem>>) attributes {dimension_semantics = [#tpu.dimension_semantics<arbitrary>], iteration_bounds = array<i64: 18>, scalar_prefetch = 0 : i64, scratch_operands = 0 : i64, tpu.core_type = #tpu.core_type<tc>, window_params = [{transform_indices = @transform_0, window_bounds = array<i64: 1024, 768>}, {pipeline_mode = #tpu.pipeline_mode<synchronous>, transform_indices = @transform_1, window_bounds = array<i64: 768, 2048>}, {pipeline_mode = #tpu.pipeline_mode<synchronous>, transform_indices = @transform_2, window_bounds = array<i64: 1, 2048>}, {pipeline_mode = #tpu.pipeline_mode<synchronous>, transform_indices = @transform_3, window_bounds = array<i64: 2048, 512>}, {pipeline_mode = #tpu.pipeline_mode<synchronous>, transform_indices = @transform_4, window_bounds = array<i64: 1, 512>}, {pipeline_mode = #tpu.pipeline_mode<synchronous>, transform_indices = @transform_5, window_bounds = array<i64: 4096, 512>}, {transform_indices = @transform_6, window_bounds = array<i64: 1, 1, 1024>}, {transform_indices = @transform_7, window_bounds = array<i64: 1, 1>}]} {
    %get3A = arith.constant 0 : index
    %get3A_0 = arith.constant 0 : index
    %get3A_1 = vector.load %arg1[%get3A, %get3A_0] : memref<1024x768xf32, #tpu.memory_space<vmem>>, vector<1024x768xf32>
    %get3A_2 = arith.constant 0 : index
    %get3A_3 = arith.constant 0 : index
    %get3A_4 = vector.load %arg2[%get3A_2, %get3A_3] : memref<768x2048xf32, #tpu.memory_space<vmem>>, vector<768x2048xf32>
    %dot_general3A = arith.constant dense<0.000000e+00> : vector<1024x2048xf32>
    %dot_general3A_5 = tpu.matmul %get3A_1, %get3A_4, %dot_general3A {dimension_numbers = #tpu.dot_dimension_numbers<[1], [0], [0], [1], [0, 0, 1, 1], [], []>, transpose_lhs_hint = false} : vector<1024x768xf32>, vector<768x2048xf32>, vector<1024x2048xf32> -> vector<1024x2048xf32>
    %get3A_6 = arith.constant 0 : index
    %get3A_7 = arith.constant 0 : index
    %get3A_8 = vector.load %arg3[%get3A_6, %get3A_7] : memref<1x2048xf32, #tpu.memory_space<vmem>>, vector<1x2048xf32>
    %add3A = vector.broadcast %get3A_8 : vector<1x2048xf32> to vector<1024x2048xf32>
    %add3A_9 = arith.addf %dot_general3A_5, %add3A : vector<1024x2048xf32>
    %mul3A = arith.constant 5.000000e-01 : f32
    %mul3A_10 = vector.broadcast %mul3A : f32 to vector<1024x2048xf32>
    %mul3A_11 = arith.mulf %mul3A_10, %add3A_9 : vector<1024x2048xf32>
    %mul3A_12 = arith.constant 0.707106769 : f32
    %mul3A_13 = vector.broadcast %mul3A_12 : f32 to vector<1024x2048xf32>
    %mul3A_14 = arith.mulf %add3A_9, %mul3A_13 : vector<1024x2048xf32>
    %erf3A = math.erf %mul3A_14 : vector<1024x2048xf32>
    %add3A_15 = arith.constant 1.000000e+00 : f32
    %add3A_16 = vector.broadcast %add3A_15 : f32 to vector<1024x2048xf32>
    %add3A_17 = arith.addf %add3A_16, %erf3A : vector<1024x2048xf32>
    %mul3A_18 = arith.mulf %mul3A_11, %add3A_17 : vector<1024x2048xf32>
    %get3A_19 = arith.constant 0 : index
    %get3A_20 = arith.constant 0 : index
    %get3A_21 = vector.load %arg4[%get3A_19, %get3A_20] : memref<2048x512xf32, #tpu.memory_space<vmem>>, vector<2048x512xf32>
    %dot_general3A_22 = arith.constant dense<0.000000e+00> : vector<1024x512xf32>
    %dot_general3A_23 = tpu.matmul %mul3A_18, %get3A_21, %dot_general3A_22 {dimension_numbers = #tpu.dot_dimension_numbers<[1], [0], [0], [1], [0, 0, 1, 1], [], []>, transpose_lhs_hint = false} : vector<1024x2048xf32>, vector<2048x512xf32>, vector<1024x512xf32> -> vector<1024x512xf32>
    %get3A_24 = arith.constant 0 : index
    %get3A_25 = arith.constant 0 : index
    %get3A_26 = vector.load %arg5[%get3A_24, %get3A_25] : memref<1x512xf32, #tpu.memory_space<vmem>>, vector<1x512xf32>
    %add3A_27 = vector.broadcast %get3A_26 : vector<1x512xf32> to vector<1024x512xf32>
    %add3A_28 = arith.addf %dot_general3A_23, %add3A_27 : vector<1024x512xf32>
    %mul3A_29 = arith.mulf %add3A_28, %add3A_28 : vector<1024x512xf32>
    %reduce_sum3A = arith.constant dense<0.000000e+00> : vector<1024xf32>
    %reduce_sum3A_30 = vector.multi_reduction <add>, %mul3A_29, %reduce_sum3A [1] : vector<1024x512xf32> to vector<1024xf32>
    %broadcast_in_dim3A = vector.shape_cast %reduce_sum3A_30 : vector<1024xf32> to vector<1024x1xf32>
    %sqrt3A = math.sqrt %broadcast_in_dim3A : vector<1024x1xf32>
    %jit3A = arith.constant 9.99999996E-13 : f32
    %max3A = vector.broadcast %jit3A : f32 to vector<1024x1xf32>
    %max3A_31 = arith.maximumf %max3A, %sqrt3A : vector<1024x1xf32>
    %div3A = vector.broadcast %max3A_31 : vector<1024x1xf32> to vector<1024x512xf32>
    %div3A_32 = arith.divf %add3A_28, %div3A : vector<1024x512xf32>
    %broadcast_in_dim3A_33 = arith.constant 0xFF800000 : f32
    %broadcast_in_dim3A_34 = vector.broadcast %broadcast_in_dim3A_33 : f32 to vector<1x1024xf32>
    %broadcast_in_dim3A_35 = arith.constant 0 : i32
    %broadcast_in_dim3A_36 = vector.broadcast %broadcast_in_dim3A_35 : i32 to vector<1x1024xi32>
    %get3A_37 = arith.constant 0 : index
    %get3A_38 = arith.constant 0 : index
    %get3A_39 = vector.load %arg6[%get3A_37, %get3A_38] : memref<4096x512xf32, #tpu.memory_space<vmem>>, vector<512x512xf32>
    %dot_general3A_40 = arith.constant dense<0.000000e+00> : vector<512x1024xf32>
    %dot_general3A_41 = tpu.matmul %get3A_39, %div3A_32, %dot_general3A_40 {dimension_numbers = #tpu.dot_dimension_numbers<[1], [1], [0], [0], [0, 0, 1, 0], [], []>, transpose_lhs_hint = false} : vector<512x512xf32>, vector<1024x512xf32>, vector<512x1024xf32> -> vector<512x1024xf32>
    %reduce_max3A = arith.constant dense<0xFF800000> : vector<1024xf32>
    %reduce_max3A_42 = vector.multi_reduction <maximumf>, %dot_general3A_41, %reduce_max3A [0] : vector<512x1024xf32> to vector<1024xf32>
    %broadcast_in_dim3A_43 = vector.shape_cast %reduce_max3A_42 : vector<1024xf32> to vector<1x1024xf32>
    %iota3A = tpu.iota {dimensions = array<i32: 0>} : vector<512x1024xi32>
    %eq3A = vector.broadcast %broadcast_in_dim3A_43 : vector<1x1024xf32> to vector<512x1024xf32>
    %eq3A_44 = arith.cmpf oeq, %dot_general3A_41, %eq3A : vector<512x1024xf32>
    %jit3A_45 = arith.constant 512 : i32
    %broadcast_in_dim3A_46 = vector.broadcast %jit3A_45 : i32 to vector<512x1024xi32>
    %select_n3A = arith.select %eq3A_44, %iota3A, %broadcast_in_dim3A_46 : vector<512x1024xi1>, vector<512x1024xi32>
    %reduce_min3A = arith.constant dense<2147483647> : vector<1024xi32>
    %reduce_min3A_47 = vector.multi_reduction <minsi>, %select_n3A, %reduce_min3A [0] : vector<512x1024xi32> to vector<1024xi32>
    %broadcast_in_dim3A_48 = vector.shape_cast %reduce_min3A_47 : vector<1024xi32> to vector<1x1024xi32>
    %gt3A = arith.cmpf ogt, %broadcast_in_dim3A_43, %broadcast_in_dim3A_34 : vector<1x1024xf32>
    %select_n3A_49 = arith.select %gt3A, %broadcast_in_dim3A_43, %broadcast_in_dim3A_34 : vector<1x1024xi1>, vector<1x1024xf32>
    %add3A_50 = arith.constant 0 : i32
    %add3A_51 = vector.broadcast %add3A_50 : i32 to vector<1x1024xi32>
    %add3A_52 = arith.addi %broadcast_in_dim3A_48, %add3A_51 : vector<1x1024xi32>
    %select_n3A_53 = arith.select %gt3A, %add3A_52, %broadcast_in_dim3A_36 : vector<1x1024xi1>, vector<1x1024xi32>
    %get3A_54 = arith.constant 512 : index
    %get3A_55 = arith.constant 0 : index
    %get3A_56 = vector.load %arg6[%get3A_54, %get3A_55] : memref<4096x512xf32, #tpu.memory_space<vmem>>, vector<512x512xf32>
    %dot_general3A_57 = arith.constant dense<0.000000e+00> : vector<512x1024xf32>
    %dot_general3A_58 = tpu.matmul %get3A_56, %div3A_32, %dot_general3A_57 {dimension_numbers = #tpu.dot_dimension_numbers<[1], [1], [0], [0], [0, 0, 1, 0], [], []>, transpose_lhs_hint = false} : vector<512x512xf32>, vector<1024x512xf32>, vector<512x1024xf32> -> vector<512x1024xf32>
    %reduce_max3A_59 = arith.constant dense<0xFF800000> : vector<1024xf32>
    %reduce_max3A_60 = vector.multi_reduction <maximumf>, %dot_general3A_58, %reduce_max3A_59 [0] : vector<512x1024xf32> to vector<1024xf32>
    %broadcast_in_dim3A_61 = vector.shape_cast %reduce_max3A_60 : vector<1024xf32> to vector<1x1024xf32>
    %iota3A_62 = tpu.iota {dimensions = array<i32: 0>} : vector<512x1024xi32>
    %eq3A_63 = vector.broadcast %broadcast_in_dim3A_61 : vector<1x1024xf32> to vector<512x1024xf32>
    %eq3A_64 = arith.cmpf oeq, %dot_general3A_58, %eq3A_63 : vector<512x1024xf32>
    %jit3A_65 = arith.constant 512 : i32
    %broadcast_in_dim3A_66 = vector.broadcast %jit3A_65 : i32 to vector<512x1024xi32>
    %select_n3A_67 = arith.select %eq3A_64, %iota3A_62, %broadcast_in_dim3A_66 : vector<512x1024xi1>, vector<512x1024xi32>
    %reduce_min3A_68 = arith.constant dense<2147483647> : vector<1024xi32>
    %reduce_min3A_69 = vector.multi_reduction <minsi>, %select_n3A_67, %reduce_min3A_68 [0] : vector<512x1024xi32> to vector<1024xi32>
    %broadcast_in_dim3A_70 = vector.shape_cast %reduce_min3A_69 : vector<1024xi32> to vector<1x1024xi32>
    %gt3A_71 = arith.cmpf ogt, %broadcast_in_dim3A_61, %select_n3A_49 : vector<1x1024xf32>
    %select_n3A_72 = arith.select %gt3A_71, %broadcast_in_dim3A_61, %select_n3A_49 : vector<1x1024xi1>, vector<1x1024xf32>
    %add3A_73 = arith.constant 512 : i32
    %add3A_74 = vector.broadcast %add3A_73 : i32 to vector<1x1024xi32>
    %add3A_75 = arith.addi %broadcast_in_dim3A_70, %add3A_74 : vector<1x1024xi32>
    %select_n3A_76 = arith.select %gt3A_71, %add3A_75, %select_n3A_53 : vector<1x1024xi1>, vector<1x1024xi32>
    %get3A_77 = arith.constant 1024 : index
    %get3A_78 = arith.constant 0 : index
    %get3A_79 = vector.load %arg6[%get3A_77, %get3A_78] : memref<4096x512xf32, #tpu.memory_space<vmem>>, vector<512x512xf32>
    %dot_general3A_80 = arith.constant dense<0.000000e+00> : vector<512x1024xf32>
    %dot_general3A_81 = tpu.matmul %get3A_79, %div3A_32, %dot_general3A_80 {dimension_numbers = #tpu.dot_dimension_numbers<[1], [1], [0], [0], [0, 0, 1, 0], [], []>, transpose_lhs_hint = false} : vector<512x512xf32>, vector<1024x512xf32>, vector<512x1024xf32> -> vector<512x1024xf32>
    %reduce_max3A_82 = arith.constant dense<0xFF800000> : vector<1024xf32>
    %reduce_max3A_83 = vector.multi_reduction <maximumf>, %dot_general3A_81, %reduce_max3A_82 [0] : vector<512x1024xf32> to vector<1024xf32>
    %broadcast_in_dim3A_84 = vector.shape_cast %reduce_max3A_83 : vector<1024xf32> to vector<1x1024xf32>
    %iota3A_85 = tpu.iota {dimensions = array<i32: 0>} : vector<512x1024xi32>
    %eq3A_86 = vector.broadcast %broadcast_in_dim3A_84 : vector<1x1024xf32> to vector<512x1024xf32>
    %eq3A_87 = arith.cmpf oeq, %dot_general3A_81, %eq3A_86 : vector<512x1024xf32>
    %jit3A_88 = arith.constant 512 : i32
    %broadcast_in_dim3A_89 = vector.broadcast %jit3A_88 : i32 to vector<512x1024xi32>
    %select_n3A_90 = arith.select %eq3A_87, %iota3A_85, %broadcast_in_dim3A_89 : vector<512x1024xi1>, vector<512x1024xi32>
    %reduce_min3A_91 = arith.constant dense<2147483647> : vector<1024xi32>
    %reduce_min3A_92 = vector.multi_reduction <minsi>, %select_n3A_90, %reduce_min3A_91 [0] : vector<512x1024xi32> to vector<1024xi32>
    %broadcast_in_dim3A_93 = vector.shape_cast %reduce_min3A_92 : vector<1024xi32> to vector<1x1024xi32>
    %gt3A_94 = arith.cmpf ogt, %broadcast_in_dim3A_84, %select_n3A_72 : vector<1x1024xf32>
    %select_n3A_95 = arith.select %gt3A_94, %broadcast_in_dim3A_84, %select_n3A_72 : vector<1x1024xi1>, vector<1x1024xf32>
    %add3A_96 = arith.constant 1024 : i32
    %add3A_97 = vector.broadcast %add3A_96 : i32 to vector<1x1024xi32>
    %add3A_98 = arith.addi %broadcast_in_dim3A_93, %add3A_97 : vector<1x1024xi32>
    %select_n3A_99 = arith.select %gt3A_94, %add3A_98, %select_n3A_76 : vector<1x1024xi1>, vector<1x1024xi32>
    %get3A_100 = arith.constant 1536 : index
    %get3A_101 = arith.constant 0 : index
    %get3A_102 = vector.load %arg6[%get3A_100, %get3A_101] : memref<4096x512xf32, #tpu.memory_space<vmem>>, vector<512x512xf32>
    %dot_general3A_103 = arith.constant dense<0.000000e+00> : vector<512x1024xf32>
    %dot_general3A_104 = tpu.matmul %get3A_102, %div3A_32, %dot_general3A_103 {dimension_numbers = #tpu.dot_dimension_numbers<[1], [1], [0], [0], [0, 0, 1, 0], [], []>, transpose_lhs_hint = false} : vector<512x512xf32>, vector<1024x512xf32>, vector<512x1024xf32> -> vector<512x1024xf32>
    %reduce_max3A_105 = arith.constant dense<0xFF800000> : vector<1024xf32>
    %reduce_max3A_106 = vector.multi_reduction <maximumf>, %dot_general3A_104, %reduce_max3A_105 [0] : vector<512x1024xf32> to vector<1024xf32>
    %broadcast_in_dim3A_107 = vector.shape_cast %reduce_max3A_106 : vector<1024xf32> to vector<1x1024xf32>
    %iota3A_108 = tpu.iota {dimensions = array<i32: 0>} : vector<512x1024xi32>
    %eq3A_109 = vector.broadcast %broadcast_in_dim3A_107 : vector<1x1024xf32> to vector<512x1024xf32>
    %eq3A_110 = arith.cmpf oeq, %dot_general3A_104, %eq3A_109 : vector<512x1024xf32>
    %jit3A_111 = arith.constant 512 : i32
    %broadcast_in_dim3A_112 = vector.broadcast %jit3A_111 : i32 to vector<512x1024xi32>
    %select_n3A_113 = arith.select %eq3A_110, %iota3A_108, %broadcast_in_dim3A_112 : vector<512x1024xi1>, vector<512x1024xi32>
    %reduce_min3A_114 = arith.constant dense<2147483647> : vector<1024xi32>
    %reduce_min3A_115 = vector.multi_reduction <minsi>, %select_n3A_113, %reduce_min3A_114 [0] : vector<512x1024xi32> to vector<1024xi32>
    %broadcast_in_dim3A_116 = vector.shape_cast %reduce_min3A_115 : vector<1024xi32> to vector<1x1024xi32>
    %gt3A_117 = arith.cmpf ogt, %broadcast_in_dim3A_107, %select_n3A_95 : vector<1x1024xf32>
    %select_n3A_118 = arith.select %gt3A_117, %broadcast_in_dim3A_107, %select_n3A_95 : vector<1x1024xi1>, vector<1x1024xf32>
    %add3A_119 = arith.constant 1536 : i32
    %add3A_120 = vector.broadcast %add3A_119 : i32 to vector<1x1024xi32>
    %add3A_121 = arith.addi %broadcast_in_dim3A_116, %add3A_120 : vector<1x1024xi32>
    %select_n3A_122 = arith.select %gt3A_117, %add3A_121, %select_n3A_99 : vector<1x1024xi1>, vector<1x1024xi32>
    %get3A_123 = arith.constant 2048 : index
    %get3A_124 = arith.constant 0 : index
    %get3A_125 = vector.load %arg6[%get3A_123, %get3A_124] : memref<4096x512xf32, #tpu.memory_space<vmem>>, vector<512x512xf32>
    %dot_general3A_126 = arith.constant dense<0.000000e+00> : vector<512x1024xf32>
    %dot_general3A_127 = tpu.matmul %get3A_125, %div3A_32, %dot_general3A_126 {dimension_numbers = #tpu.dot_dimension_numbers<[1], [1], [0], [0], [0, 0, 1, 0], [], []>, transpose_lhs_hint = false} : vector<512x512xf32>, vector<1024x512xf32>, vector<512x1024xf32> -> vector<512x1024xf32>
    %reduce_max3A_128 = arith.constant dense<0xFF800000> : vector<1024xf32>
    %reduce_max3A_129 = vector.multi_reduction <maximumf>, %dot_general3A_127, %reduce_max3A_128 [0] : vector<512x1024xf32> to vector<1024xf32>
    %broadcast_in_dim3A_130 = vector.shape_cast %reduce_max3A_129 : vector<1024xf32> to vector<1x1024xf32>
    %iota3A_131 = tpu.iota {dimensions = array<i32: 0>} : vector<512x1024xi32>
    %eq3A_132 = vector.broadcast %broadcast_in_dim3A_130 : vector<1x1024xf32> to vector<512x1024xf32>
    %eq3A_133 = arith.cmpf oeq, %dot_general3A_127, %eq3A_132 : vector<512x1024xf32>
    %jit3A_134 = arith.constant 512 : i32
    %broadcast_in_dim3A_135 = vector.broadcast %jit3A_134 : i32 to vector<512x1024xi32>
    %select_n3A_136 = arith.select %eq3A_133, %iota3A_131, %broadcast_in_dim3A_135 : vector<512x1024xi1>, vector<512x1024xi32>
    %reduce_min3A_137 = arith.constant dense<2147483647> : vector<1024xi32>
    %reduce_min3A_138 = vector.multi_reduction <minsi>, %select_n3A_136, %reduce_min3A_137 [0] : vector<512x1024xi32> to vector<1024xi32>
    %broadcast_in_dim3A_139 = vector.shape_cast %reduce_min3A_138 : vector<1024xi32> to vector<1x1024xi32>
    %gt3A_140 = arith.cmpf ogt, %broadcast_in_dim3A_130, %select_n3A_118 : vector<1x1024xf32>
    %select_n3A_141 = arith.select %gt3A_140, %broadcast_in_dim3A_130, %select_n3A_118 : vector<1x1024xi1>, vector<1x1024xf32>
    %add3A_142 = arith.constant 2048 : i32
    %add3A_143 = vector.broadcast %add3A_142 : i32 to vector<1x1024xi32>
    %add3A_144 = arith.addi %broadcast_in_dim3A_139, %add3A_143 : vector<1x1024xi32>
    %select_n3A_145 = arith.select %gt3A_140, %add3A_144, %select_n3A_122 : vector<1x1024xi1>, vector<1x1024xi32>
    %get3A_146 = arith.constant 2560 : index
    %get3A_147 = arith.constant 0 : index
    %get3A_148 = vector.load %arg6[%get3A_146, %get3A_147] : memref<4096x512xf32, #tpu.memory_space<vmem>>, vector<512x512xf32>
    %dot_general3A_149 = arith.constant dense<0.000000e+00> : vector<512x1024xf32>
    %dot_general3A_150 = tpu.matmul %get3A_148, %div3A_32, %dot_general3A_149 {dimension_numbers = #tpu.dot_dimension_numbers<[1], [1], [0], [0], [0, 0, 1, 0], [], []>, transpose_lhs_hint = false} : vector<512x512xf32>, vector<1024x512xf32>, vector<512x1024xf32> -> vector<512x1024xf32>
    %reduce_max3A_151 = arith.constant dense<0xFF800000> : vector<1024xf32>
    %reduce_max3A_152 = vector.multi_reduction <maximumf>, %dot_general3A_150, %reduce_max3A_151 [0] : vector<512x1024xf32> to vector<1024xf32>
    %broadcast_in_dim3A_153 = vector.shape_cast %reduce_max3A_152 : vector<1024xf32> to vector<1x1024xf32>
    %iota3A_154 = tpu.iota {dimensions = array<i32: 0>} : vector<512x1024xi32>
    %eq3A_155 = vector.broadcast %broadcast_in_dim3A_153 : vector<1x1024xf32> to vector<512x1024xf32>
    %eq3A_156 = arith.cmpf oeq, %dot_general3A_150, %eq3A_155 : vector<512x1024xf32>
    %jit3A_157 = arith.constant 512 : i32
    %broadcast_in_dim3A_158 = vector.broadcast %jit3A_157 : i32 to vector<512x1024xi32>
    %select_n3A_159 = arith.select %eq3A_156, %iota3A_154, %broadcast_in_dim3A_158 : vector<512x1024xi1>, vector<512x1024xi32>
    %reduce_min3A_160 = arith.constant dense<2147483647> : vector<1024xi32>
    %reduce_min3A_161 = vector.multi_reduction <minsi>, %select_n3A_159, %reduce_min3A_160 [0] : vector<512x1024xi32> to vector<1024xi32>
    %broadcast_in_dim3A_162 = vector.shape_cast %reduce_min3A_161 : vector<1024xi32> to vector<1x1024xi32>
    %gt3A_163 = arith.cmpf ogt, %broadcast_in_dim3A_153, %select_n3A_141 : vector<1x1024xf32>
    %select_n3A_164 = arith.select %gt3A_163, %broadcast_in_dim3A_153, %select_n3A_141 : vector<1x1024xi1>, vector<1x1024xf32>
    %add3A_165 = arith.constant 2560 : i32
    %add3A_166 = vector.broadcast %add3A_165 : i32 to vector<1x1024xi32>
    %add3A_167 = arith.addi %broadcast_in_dim3A_162, %add3A_166 : vector<1x1024xi32>
    %select_n3A_168 = arith.select %gt3A_163, %add3A_167, %select_n3A_145 : vector<1x1024xi1>, vector<1x1024xi32>
    %get3A_169 = arith.constant 3072 : index
    %get3A_170 = arith.constant 0 : index
    %get3A_171 = vector.load %arg6[%get3A_169, %get3A_170] : memref<4096x512xf32, #tpu.memory_space<vmem>>, vector<512x512xf32>
    %dot_general3A_172 = arith.constant dense<0.000000e+00> : vector<512x1024xf32>
    %dot_general3A_173 = tpu.matmul %get3A_171, %div3A_32, %dot_general3A_172 {dimension_numbers = #tpu.dot_dimension_numbers<[1], [1], [0], [0], [0, 0, 1, 0], [], []>, transpose_lhs_hint = false} : vector<512x512xf32>, vector<1024x512xf32>, vector<512x1024xf32> -> vector<512x1024xf32>
    %reduce_max3A_174 = arith.constant dense<0xFF800000> : vector<1024xf32>
    %reduce_max3A_175 = vector.multi_reduction <maximumf>, %dot_general3A_173, %reduce_max3A_174 [0] : vector<512x1024xf32> to vector<1024xf32>
    %broadcast_in_dim3A_176 = vector.shape_cast %reduce_max3A_175 : vector<1024xf32> to vector<1x1024xf32>
    %iota3A_177 = tpu.iota {dimensions = array<i32: 0>} : vector<512x1024xi32>
    %eq3A_178 = vector.broadcast %broadcast_in_dim3A_176 : vector<1x1024xf32> to vector<512x1024xf32>
    %eq3A_179 = arith.cmpf oeq, %dot_general3A_173, %eq3A_178 : vector<512x1024xf32>
    %jit3A_180 = arith.constant 512 : i32
    %broadcast_in_dim3A_181 = vector.broadcast %jit3A_180 : i32 to vector<512x1024xi32>
    %select_n3A_182 = arith.select %eq3A_179, %iota3A_177, %broadcast_in_dim3A_181 : vector<512x1024xi1>, vector<512x1024xi32>
    %reduce_min3A_183 = arith.constant dense<2147483647> : vector<1024xi32>
    %reduce_min3A_184 = vector.multi_reduction <minsi>, %select_n3A_182, %reduce_min3A_183 [0] : vector<512x1024xi32> to vector<1024xi32>
    %broadcast_in_dim3A_185 = vector.shape_cast %reduce_min3A_184 : vector<1024xi32> to vector<1x1024xi32>
    %gt3A_186 = arith.cmpf ogt, %broadcast_in_dim3A_176, %select_n3A_164 : vector<1x1024xf32>
    %select_n3A_187 = arith.select %gt3A_186, %broadcast_in_dim3A_176, %select_n3A_164 : vector<1x1024xi1>, vector<1x1024xf32>
    %add3A_188 = arith.constant 3072 : i32
    %add3A_189 = vector.broadcast %add3A_188 : i32 to vector<1x1024xi32>
    %add3A_190 = arith.addi %broadcast_in_dim3A_185, %add3A_189 : vector<1x1024xi32>
    %select_n3A_191 = arith.select %gt3A_186, %add3A_190, %select_n3A_168 : vector<1x1024xi1>, vector<1x1024xi32>
    %get3A_192 = arith.constant 3584 : index
    %get3A_193 = arith.constant 0 : index
    %get3A_194 = vector.load %arg6[%get3A_192, %get3A_193] : memref<4096x512xf32, #tpu.memory_space<vmem>>, vector<512x512xf32>
    %dot_general3A_195 = arith.constant dense<0.000000e+00> : vector<512x1024xf32>
    %dot_general3A_196 = tpu.matmul %get3A_194, %div3A_32, %dot_general3A_195 {dimension_numbers = #tpu.dot_dimension_numbers<[1], [1], [0], [0], [0, 0, 1, 0], [], []>, transpose_lhs_hint = false} : vector<512x512xf32>, vector<1024x512xf32>, vector<512x1024xf32> -> vector<512x1024xf32>
    %reduce_max3A_197 = arith.constant dense<0xFF800000> : vector<1024xf32>
    %reduce_max3A_198 = vector.multi_reduction <maximumf>, %dot_general3A_196, %reduce_max3A_197 [0] : vector<512x1024xf32> to vector<1024xf32>
    %broadcast_in_dim3A_199 = vector.shape_cast %reduce_max3A_198 : vector<1024xf32> to vector<1x1024xf32>
    %iota3A_200 = tpu.iota {dimensions = array<i32: 0>} : vector<512x1024xi32>
    %eq3A_201 = vector.broadcast %broadcast_in_dim3A_199 : vector<1x1024xf32> to vector<512x1024xf32>
    %eq3A_202 = arith.cmpf oeq, %dot_general3A_196, %eq3A_201 : vector<512x1024xf32>
    %jit3A_203 = arith.constant 512 : i32
    %broadcast_in_dim3A_204 = vector.broadcast %jit3A_203 : i32 to vector<512x1024xi32>
    %select_n3A_205 = arith.select %eq3A_202, %iota3A_200, %broadcast_in_dim3A_204 : vector<512x1024xi1>, vector<512x1024xi32>
    %reduce_min3A_206 = arith.constant dense<2147483647> : vector<1024xi32>
    %reduce_min3A_207 = vector.multi_reduction <minsi>, %select_n3A_205, %reduce_min3A_206 [0] : vector<512x1024xi32> to vector<1024xi32>
    %broadcast_in_dim3A_208 = vector.shape_cast %reduce_min3A_207 : vector<1024xi32> to vector<1x1024xi32>
    %gt3A_209 = arith.cmpf ogt, %broadcast_in_dim3A_199, %select_n3A_187 : vector<1x1024xf32>
    %select_n3A_210 = arith.select %gt3A_209, %broadcast_in_dim3A_199, %select_n3A_187 : vector<1x1024xi1>, vector<1x1024xf32>
    %add3A_211 = arith.constant 3584 : i32
    %add3A_212 = vector.broadcast %add3A_211 : i32 to vector<1x1024xi32>
    %add3A_213 = arith.addi %broadcast_in_dim3A_208, %add3A_212 : vector<1x1024xi32>
    %select_n3A_214 = arith.select %gt3A_209, %add3A_213, %select_n3A_191 : vector<1x1024xi1>, vector<1x1024xi32>
    %reshape3A = vector.shape_cast %select_n3A_214 : vector<1x1024xi32> to vector<1x1x1024xi32>
    %swap3A = arith.constant 0 : index
    %swap3A_215 = arith.constant 0 : index
    %swap3A_216 = arith.constant 0 : index
    %swap3A_217 = vector.load %arg7[%swap3A, %swap3A_215, %swap3A_216] : memref<1x1x1024xi32, #tpu.memory_space<vmem>>, vector<1x1x1024xi32>
    tpu.vector_store %arg7[%swap3A, %swap3A_215, %swap3A_216], %reshape3A {strides = array<i32>} : memref<1x1x1024xi32, #tpu.memory_space<vmem>>, vector<1x1x1024xi32>,
    %dot_general3A_218 = arith.constant dense<0.000000e+00> : vector<1x1xf32>
    %dot_general3A_219 = tpu.matmul %select_n3A_210, %max3A_31, %dot_general3A_218 {dimension_numbers = #tpu.dot_dimension_numbers<[1], [0], [0], [1], [0, 0, 1, 1], [], []>, transpose_lhs_hint = false} : vector<1x1024xf32>, vector<1024x1xf32>, vector<1x1xf32> -> vector<1x1xf32>
    %squeeze3A = vector.extract %dot_general3A_219[0, 0] : f32 from vector<1x1xf32>
    %reduce_sum3A_220 = vector.shape_cast %broadcast_in_dim3A : vector<1024x1xf32> to vector<1x1024x1xf32>
    %reduce_sum3A_221 = arith.constant dense<0.000000e+00> : vector<1xf32>
    %reduce_sum3A_222 = vector.multi_reduction <add>, %reduce_sum3A_220, %reduce_sum3A_221 [1, 2] : vector<1x1024x1xf32> to vector<1xf32>
    %reduce_sum3A_223 = vector.shape_cast %reduce_sum3A_222 : vector<1xf32> to vector<1x1x1xf32>
    %reduce_sum3A_224 = vector.extract %reduce_sum3A_223[0, 0, 0] : f32 from vector<1x1x1xf32>
    %mul3A_225 = arith.constant 2.000000e+00 : f32
    %mul3A_226 = arith.mulf %mul3A_225, %squeeze3A : f32
    %sub3A = arith.subf %reduce_sum3A_224, %mul3A_226 : f32
    %eq3A_227 = arith.constant 0 : i32
    %eq3A_228 = arith.cmpi eq, %arg0, %eq3A_227 : i32
    %convert_element_type3A = arith.extui %eq3A_228 : i1 to i32
    %cond3A = arith.constant 0 : i32
    %cond3A_229 = arith.cmpi ne, %convert_element_type3A, %cond3A : i32
    scf.if %cond3A_229 {
      %swap3A_237 = arith.constant 0.000000e+00 : f32
      %swap3A_238 = arith.constant 0 : index
      %swap3A_239 = arith.constant 0 : index
      %swap3A_240 = memref.load %arg8[%swap3A_238, %swap3A_239] : memref<1x1xf32, #tpu.memory_space<smem>>
      memref.store %swap3A_237, %arg8[%swap3A_238, %swap3A_239] : memref<1x1xf32, #tpu.memory_space<smem>>
    } else {
    }
    %get3A_230 = arith.constant 0 : index
    %get3A_231 = arith.constant 0 : index
    %get3A_232 = memref.load %arg8[%get3A_230, %get3A_231] : memref<1x1xf32, #tpu.memory_space<smem>>
    %add3A_233 = arith.addf %get3A_232, %sub3A : f32
    %swap3A_234 = arith.constant 0 : index
    %swap3A_235 = arith.constant 0 : index
    %swap3A_236 = memref.load %arg8[%swap3A_234, %swap3A_235] : memref<1x1xf32, #tpu.memory_space<smem>>
    memref.store %add3A_233, %arg8[%swap3A_234, %swap3A_235] : memref<1x1xf32, #tpu.memory_space<smem>>
    return
  }
  func.func @transform_0(%arg0: i32) -> (i32, i32) {
    %c0_i32 = arith.constant 0 : i32
    %c0_i32_0 = arith.constant 0 : i32
    return %arg0, %c0_i32 : i32, i32
  }
  func.func @transform_1(%arg0: i32) -> (i32, i32) {
    %c0_i32 = arith.constant 0 : i32
    %c0_i32_0 = arith.constant 0 : i32
    %c0_i32_1 = arith.constant 0 : i32
    return %c0_i32, %c0_i32_0 : i32, i32
  }
  func.func @transform_2(%arg0: i32) -> (i32, i32) {
    %c0_i32 = arith.constant 0 : i32
    %c0_i32_0 = arith.constant 0 : i32
    %c0_i32_1 = arith.constant 0 : i32
    return %c0_i32, %c0_i32_0 : i32, i32
  }
  func.func @transform_3(%arg0: i32) -> (i32, i32) {
    %c0_i32 = arith.constant 0 : i32
    %c0_i32_0 = arith.constant 0 : i32
    %c0_i32_1 = arith.constant 0 : i32
    return %c0_i32, %c0_i32_0 : i32, i32
  }
  func.func @transform_4(%arg0: i32) -> (i32, i32) {
    %c0_i32 = arith.constant 0 : i32
    %c0_i32_0 = arith.constant 0 : i32
    %c0_i32_1 = arith.constant 0 : i32
    return %c0_i32, %c0_i32_0 : i32, i32
  }
  func.func @transform_5(%arg0: i32) -> (i32, i32) {
    %c0_i32 = arith.constant 0 : i32
    %c0_i32_0 = arith.constant 0 : i32
    %c0_i32_1 = arith.constant 0 : i32
    return %c0_i32, %c0_i32_0 : i32, i32
  }
  func.func @transform_6(%arg0: i32) -> (i32, i32, i32) {
    %c0_i32 = arith.constant 0 : i32
    %c0_i32_0 = arith.constant 0 : i32
    %c0_i32_1 = arith.constant 0 : i32
    return %arg0, %c0_i32, %c0_i32_0 : i32, i32, i32
  }
  func.func @transform_7(%arg0: i32) -> (i32, i32) {
    %c0_i32 = arith.constant 0 : i32
    %c0_i32_0 = arith.constant 0 : i32
    %c0_i32_1 = arith.constant 0 : i32
    return %c0_i32, %c0_i32_0 : i32, i32
  }
}

module attributes {stable_mosaic.version = 14 : i64} {
  func.func @_cb_body(%arg0: i32, %arg1: memref<1024x512xf32, #tpu.memory_space<vmem>>, %arg2: memref<512x2048xf32, #tpu.memory_space<vmem>>, %arg3: memref<1x2048xf32, #tpu.memory_space<vmem>>, %arg4: memref<2048x768xf32, #tpu.memory_space<vmem>>, %arg5: memref<1x768xf32, #tpu.memory_space<vmem>>, %arg6: memref<1024x512xf32, #tpu.memory_space<vmem>>, %arg7: memref<1024x768xf32, #tpu.memory_space<vmem>>) attributes {dimension_semantics = [#tpu.dimension_semantics<arbitrary>], iteration_bounds = array<i64: 4>, scalar_prefetch = 0 : i64, scratch_operands = 0 : i64, tpu.core_type = #tpu.core_type<tc>, window_params = [{transform_indices = @transform_0, window_bounds = array<i64: 1024, 512>}, {pipeline_mode = #tpu.pipeline_mode<synchronous>, transform_indices = @transform_1, window_bounds = array<i64: 512, 2048>}, {pipeline_mode = #tpu.pipeline_mode<synchronous>, transform_indices = @transform_2, window_bounds = array<i64: 1, 2048>}, {pipeline_mode = #tpu.pipeline_mode<synchronous>, transform_indices = @transform_3, window_bounds = array<i64: 2048, 768>}, {pipeline_mode = #tpu.pipeline_mode<synchronous>, transform_indices = @transform_4, window_bounds = array<i64: 1, 768>}, {transform_indices = @transform_5, window_bounds = array<i64: 1024, 512>}, {transform_indices = @transform_6, window_bounds = array<i64: 1024, 768>}]} {
    %get3A = arith.constant 0 : index
    %get3A_0 = arith.constant 0 : index
    %get3A_1 = vector.load %arg1[%get3A, %get3A_0] : memref<1024x512xf32, #tpu.memory_space<vmem>>, vector<1024x512xf32>
    %mul3A = arith.mulf %get3A_1, %get3A_1 : vector<1024x512xf32>
    %reduce_sum3A = arith.constant dense<0.000000e+00> : vector<1024xf32>
    %reduce_sum3A_2 = vector.multi_reduction <add>, %mul3A, %reduce_sum3A [1] : vector<1024x512xf32> to vector<1024xf32>
    %broadcast_in_dim3A = vector.shape_cast %reduce_sum3A_2 : vector<1024xf32> to vector<1024x1xf32>
    %sqrt3A = math.sqrt %broadcast_in_dim3A : vector<1024x1xf32>
    %jit3A = arith.constant 9.99999996E-13 : f32
    %max3A = vector.broadcast %jit3A : f32 to vector<1024x1xf32>
    %max3A_3 = arith.maximumf %max3A, %sqrt3A : vector<1024x1xf32>
    %div3A = vector.broadcast %max3A_3 : vector<1024x1xf32> to vector<1024x512xf32>
    %div3A_4 = arith.divf %get3A_1, %div3A : vector<1024x512xf32>
    %swap3A = arith.constant 0 : index
    %swap3A_5 = arith.constant 0 : index
    %swap3A_6 = vector.load %arg6[%swap3A, %swap3A_5] : memref<1024x512xf32, #tpu.memory_space<vmem>>, vector<1024x512xf32>
    tpu.vector_store %arg6[%swap3A, %swap3A_5], %div3A_4 {strides = array<i32>} : memref<1024x512xf32, #tpu.memory_space<vmem>>, vector<1024x512xf32>,
    %get3A_7 = arith.constant 0 : index
    %get3A_8 = arith.constant 0 : index
    %get3A_9 = vector.load %arg2[%get3A_7, %get3A_8] : memref<512x2048xf32, #tpu.memory_space<vmem>>, vector<512x2048xf32>
    %dot_general3A = arith.constant dense<0.000000e+00> : vector<1024x2048xf32>
    %dot_general3A_10 = tpu.matmul %div3A_4, %get3A_9, %dot_general3A {dimension_numbers = #tpu.dot_dimension_numbers<[1], [0], [0], [1], [0, 0, 1, 1], [], []>, transpose_lhs_hint = false} : vector<1024x512xf32>, vector<512x2048xf32>, vector<1024x2048xf32> -> vector<1024x2048xf32>
    %get3A_11 = arith.constant 0 : index
    %get3A_12 = arith.constant 0 : index
    %get3A_13 = vector.load %arg3[%get3A_11, %get3A_12] : memref<1x2048xf32, #tpu.memory_space<vmem>>, vector<1x2048xf32>
    %add3A = vector.broadcast %get3A_13 : vector<1x2048xf32> to vector<1024x2048xf32>
    %add3A_14 = arith.addf %dot_general3A_10, %add3A : vector<1024x2048xf32>
    %mul3A_15 = arith.constant 5.000000e-01 : f32
    %mul3A_16 = vector.broadcast %mul3A_15 : f32 to vector<1024x2048xf32>
    %mul3A_17 = arith.mulf %mul3A_16, %add3A_14 : vector<1024x2048xf32>
    %mul3A_18 = arith.constant 0.707106769 : f32
    %mul3A_19 = vector.broadcast %mul3A_18 : f32 to vector<1024x2048xf32>
    %mul3A_20 = arith.mulf %add3A_14, %mul3A_19 : vector<1024x2048xf32>
    %erf3A = math.erf %mul3A_20 : vector<1024x2048xf32>
    %add3A_21 = arith.constant 1.000000e+00 : f32
    %add3A_22 = vector.broadcast %add3A_21 : f32 to vector<1024x2048xf32>
    %add3A_23 = arith.addf %add3A_22, %erf3A : vector<1024x2048xf32>
    %mul3A_24 = arith.mulf %mul3A_17, %add3A_23 : vector<1024x2048xf32>
    %get3A_25 = arith.constant 0 : index
    %get3A_26 = arith.constant 0 : index
    %get3A_27 = vector.load %arg4[%get3A_25, %get3A_26] : memref<2048x768xf32, #tpu.memory_space<vmem>>, vector<2048x768xf32>
    %dot_general3A_28 = arith.constant dense<0.000000e+00> : vector<1024x768xf32>
    %dot_general3A_29 = tpu.matmul %mul3A_24, %get3A_27, %dot_general3A_28 {dimension_numbers = #tpu.dot_dimension_numbers<[1], [0], [0], [1], [0, 0, 1, 1], [], []>, transpose_lhs_hint = false} : vector<1024x2048xf32>, vector<2048x768xf32>, vector<1024x768xf32> -> vector<1024x768xf32>
    %get3A_30 = arith.constant 0 : index
    %get3A_31 = arith.constant 0 : index
    %get3A_32 = vector.load %arg5[%get3A_30, %get3A_31] : memref<1x768xf32, #tpu.memory_space<vmem>>, vector<1x768xf32>
    %add3A_33 = vector.broadcast %get3A_32 : vector<1x768xf32> to vector<1024x768xf32>
    %add3A_34 = arith.addf %dot_general3A_29, %add3A_33 : vector<1024x768xf32>
    %swap3A_35 = arith.constant 0 : index
    %swap3A_36 = arith.constant 0 : index
    %swap3A_37 = vector.load %arg7[%swap3A_35, %swap3A_36] : memref<1024x768xf32, #tpu.memory_space<vmem>>, vector<1024x768xf32>
    tpu.vector_store %arg7[%swap3A_35, %swap3A_36], %add3A_34 {strides = array<i32>} : memref<1024x768xf32, #tpu.memory_space<vmem>>, vector<1024x768xf32>,
    return
  }
  func.func @transform_0(%arg0: i32) -> (i32, i32) {
    %c0_i32 = arith.constant 0 : i32
    %c0_i32_0 = arith.constant 0 : i32
    return %arg0, %c0_i32 : i32, i32
  }
  func.func @transform_1(%arg0: i32) -> (i32, i32) {
    %c0_i32 = arith.constant 0 : i32
    %c0_i32_0 = arith.constant 0 : i32
    %c0_i32_1 = arith.constant 0 : i32
    return %c0_i32, %c0_i32_0 : i32, i32
  }
  func.func @transform_2(%arg0: i32) -> (i32, i32) {
    %c0_i32 = arith.constant 0 : i32
    %c0_i32_0 = arith.constant 0 : i32
    %c0_i32_1 = arith.constant 0 : i32
    return %c0_i32, %c0_i32_0 : i32, i32
  }
  func.func @transform_3(%arg0: i32) -> (i32, i32) {
    %c0_i32 = arith.constant 0 : i32
    %c0_i32_0 = arith.constant 0 : i32
    %c0_i32_1 = arith.constant 0 : i32
    return %c0_i32, %c0_i32_0 : i32, i32
  }
  func.func @transform_4(%arg0: i32) -> (i32, i32) {
    %c0_i32 = arith.constant 0 : i32
    %c0_i32_0 = arith.constant 0 : i32
    %c0_i32_1 = arith.constant 0 : i32
    return %c0_i32, %c0_i32_0 : i32, i32
  }
  func.func @transform_5(%arg0: i32) -> (i32, i32) {
    %c0_i32 = arith.constant 0 : i32
    %c0_i32_0 = arith.constant 0 : i32
    return %arg0, %c0_i32 : i32, i32
  }
  func.func @transform_6(%arg0: i32) -> (i32, i32) {
    %c0_i32 = arith.constant 0 : i32
    %c0_i32_0 = arith.constant 0 : i32
    return %arg0, %c0_i32 : i32, i32
  }
}

</mosaic_0001>

<sc_bundles>
// kernel: kernel.5.cloned.1.call-start
scs
__scs_entry_jumppad:
0x0: {  	(pc) =	sbr.rel $0x88, $3  }
0x1: {  	(tag) =	ssettag $0x0;
	lr =	simm.s32 $0x1  }
0x2: {  	[smem:$0x3F97] =	sst lr;
	_ =	strace $0xD0000000  }
0x3: {  	_ = 	snop  }
0x4: {  	_ = 	snop  }
0x5: {  	_ = 	snop  }
0x6: {  	_ = 	snop  }
0x7: {  	_ = 	snop  }
__scs_overlays_trampoline_lowered:
0x8: {  	[smem:$0x3FA6] =	sst s0  }
0x9: {  	[smem:$0x3FA7] =	sst s1  }
0xa: {  	[smem:$0x3FA8] =	sst s2  }
0xb: {  	[smem:$0x3FA9] =	sst s3  }
0xc: {  	[smem:$0x3FAA] =	sst s4  }
0xd: {  	[smem:$0x3FAB] =	sst s5  }
0xe: {  	[smem:$0x3FAC] =	sst s6  }
0xf: {  	[smem:$0x3FAD] =	sst s7  }
0x10: {  	[smem:$0x3FAE] =	sst s8  }
0x11: {  	[smem:$0x3FAF] =	sst s9;
	s0 =	simm.s32 @!p0 $0x0  }
0x12: {  	s1 =	sld [smem:$0x3F95];
	s0 =	simm.s32 @p0 $0x1  }
0x13: {  	[smem:$0x3FB0] =	sst s0;
	s0 =	simm.s32 @!p1 $0x0  }
0x14: {  	s2 =	sld [smem:$0x3F94];
	s0 =	simm.s32 @p1 $0x1  }
0x15: {  	[smem:$0x3FB1] =	sst s0;
	s0 =	simm.s32 @!p2 $0x0  }
0x16: {  	s3 =	sld [smem:$0x3FDB];
	s0 =	simm.s32 @p2 $0x1  }
0x17: {  	s4 =	simm.s32 $0x1BF5;
	[smem:$0x3FB3] =	sst s0  }
0x18: {  	s0 =	sld [smem:$0x3F96];
	_ =	swait.ge [sflag:s4], $0x0  }
0x19: {  	s7 =	sld [smem:$0x3F97]  }
0x1a: {  	s8 =	sadd.s32 $0xFFFFE003, lr  }
0x1b: {  	s9 =	sadd.s32 $0xFFFFFEF7, lr;
	s5 =	simm.s32 $0xFFFFFFFF;
	p2 =	slt.u32 s8, $0xFFFFF086  }
0x1c: {  	p1 =	slt.u32 s9, $0xF7A;
	s5 =	simm.s32 @!p2 $0x0  }
0x1d: {  	s5 =	simm.s32 @p1 $0x1;
	p0 =	seq.s32 s7, s2  }
0x1e: {  	s7 =	smul.u32 @!p0 $0xF7A, s2;
	p2 =	seq.s32 @!p0 s5, $0x0  }
0x1f: {  	s9 =	smul.u32 $0xF7A, s1;
	s8 =	simm.s32 @!p0 $0x1BF5;
	p2 =	por !p2, p0  }
0x20: {  	[sflag:s8] =	ssyncset.s32 @!p0 $0xFFFFF086;
	s6 =	sadd.s32 @!p0 s3, s7;
	s7 =	simm.s32 @!p0 $0x108  }
0x21: {  	s3 =	sadd.s32 s3, s9;
	s6 =	sadd.s32 @!p0 $0x88, s6;
	s7 =	simm.s32 @p2 $0x1082  }
0x22: {  	[simem:s7], [sflag:s8] =	dma.local @!p0 [hbm:s6], $0xF7A  }
0x23: {  	s9 =	sor.u32 $0xD0000000, s2;
	s6 =	simm.s32 $0x108;
	_ =	swait.ge @!p0 [sflag:s8], $0x0  }
0x24: {  	s3 =	sadd.s32 $0x88, s3;
	s6 =	simm.s32 @!p1 $0x1082;
	[sflag:s4] =	ssyncset.s32 $0xFFFFF086  }
0x25: {  	[simem:s6], [sflag:s4] =	dma.local [hbm:s3], $0xF7A  }
0x26: {  	[smem:$0x3F97] =	sst s1;
	(tag) =	ssettag s2;
	_ =	strace s9  }
0x27: {  	s1 =	sld [smem:$0x3FA7]  }
0x28: {  	s2 =	sld [smem:$0x3FA8]  }
0x29: {  	s4 =	sld [smem:$0x3FAA]  }
0x2a: {  	p0 =	seq.s32 s5, $0x0;
	s5 =	sld [smem:$0x3FAB]  }
0x2b: {  	s6 =	sld [smem:$0x3FAC]  }
0x2c: {  	s7 =	sld [smem:$0x3FAD]  }
0x2d: {  	s3 =	simm.s32 $0x108;
	s8 =	sld [smem:$0x3FAE]  }
0x2e: {  	s3 =	simm.s32 @!p0 $0x1082;
	s9 =	sld [smem:$0x3FAF]  }
0x2f: {  	lr =	sadd.s32 s0, s3;
	s0 =	sld [smem:$0x3FA6]  }
0x30: {  	s3 =	sld [smem:$0x3FA9]  }
0x31: {  	[smem:$0x3FB2] =	sst s10  }
0x32: {  	s10 =	sld [smem:$0x3FB0];
	_ =	sdelay $0x3  }
0x33: {  	p0 =	seq.s32 s10, $0x1;
	s10 =	sld [smem:$0x3FB2];
	_ =	sdelay $0x3  }
0x34: {  	[smem:$0x3FB2] =	sst s10  }
0x35: {  	s10 =	sld [smem:$0x3FB1];
	_ =	sdelay $0x3  }
0x36: {  	p1 =	seq.s32 s10, $0x1;
	s10 =	sld [smem:$0x3FB2];
	_ =	sdelay $0x3  }
0x37: {  	[smem:$0x3FB2] =	sst s10  }
0x38: {  	s10 =	sld [smem:$0x3FB3]  }
0x39: {  	_ = 	snop;
	(pc) =	sbr.ind lr, $3  }
0x3a: {  	_ = 	snop  }
0x3b: {  	_ = 	snop  }
0x3c: {  	p2 =	seq.s32 s10, $0x1;
	s10 =	sld [smem:$0x3FB2]  }
0x3d: {  	_ =	shalt  }
0x3e: {  	_ =	shalt  }
0x3f: {  	_ =	shalt  }
0x40: {  	_ =	shalt  }
0x41: {  	_ =	shalt  }
0x42: {  	_ =	shalt  }
0x43: {  	_ =	shalt  }
0x44: {  	_ =	shalt  }
0x45: {  	_ =	shalt  }
0x46: {  	_ =	shalt  }
0x47: {  	_ =	shalt  }
0x48: {  	_ =	shalt  }
0x49: {  	_ =	shalt  }
0x4a: {  	_ =	shalt  }
0x4b: {  	_ =	shalt  }
0x4c: {  	_ =	shalt  }
0x4d: {  	_ =	shalt  }
0x4e: {  	_ =	shalt  }
0x4f: {  	_ =	shalt  }
0x50: {  	_ =	shalt  }
0x51: {  	_ =	shalt  }
0x52: {  	_ =	shalt  }
0x53: {  	_ =	shalt  }
0x54: {  	_ =	shalt  }
0x55: {  	_ =	shalt  }
0x56: {  	_ =	shalt  }
0x57: {  	_ =	shalt  }
0x58: {  	_ =	shalt  }
0x59: {  	_ =	shalt  }
0x5a: {  	_ =	shalt  }
0x5b: {  	_ =	shalt  }
0x5c: {  	_ =	shalt  }
0x5d: {  	_ =	shalt  }
0x5e: {  	_ =	shalt  }
0x5f: {  	_ =	shalt  }
0x60: {  	_ =	shalt  }
0x61: {  	_ =	shalt  }
0x62: {  	_ =	shalt  }
0x63: {  	_ =	shalt  }
0x64: {  	_ =	shalt  }
0x65: {  	_ =	shalt  }
0x66: {  	_ =	shalt  }
0x67: {  	_ =	shalt  }
0x68: {  	_ =	shalt  }
0x69: {  	_ =	shalt  }
0x6a: {  	_ =	shalt  }
0x6b: {  	_ =	shalt  }
0x6c: {  	_ =	shalt  }
0x6d: {  	_ =	shalt  }
0x6e: {  	_ =	shalt  }
0x6f: {  	_ =	shalt  }
0x70: {  	_ =	shalt  }
0x71: {  	_ =	shalt  }
0x72: {  	_ =	shalt  }
0x73: {  	_ =	shalt  }
0x74: {  	_ =	shalt  }
0x75: {  	_ =	shalt  }
0x76: {  	_ =	shalt  }
0x77: {  	_ =	shalt  }
0x78: {  	_ =	shalt  }
0x79: {  	_ =	shalt  }
0x7a: {  	_ =	shalt  }
0x7b: {  	_ =	shalt  }
0x7c: {  	_ =	shalt  }
0x7d: {  	_ =	shalt  }
0x7e: {  	_ =	shalt  }
0x7f: {  	_ =	shalt  }
0x80: {  	_ =	shalt  }
0x81: {  	_ =	shalt  }
0x82: {  	_ =	shalt  }
0x83: {  	_ =	shalt  }
0x84: {  	_ =	shalt  }
0x85: {  	_ =	shalt  }
0x86: {  	_ =	shalt  }
0x87: {  	_ =	shalt  }
.Lfunc_end0:
.L_simem_size_0:
called_computation_lowered:
.L_overlay_start_0:
0x88: {  	s2 =	sld [smem:$0x3FD9]  }
0x89: {  	s3 =	sld [smem:$0x3FFE];
	_ =	sdelay $0x1  }
0x8a: {  	s1 =	srdreg.scid  }
0x8b: {  	s0 =	sand.u32 $0x1, s1  }
0x8c: {  	s14 =	sshll.u32 s0, $0xA;
	s2 =	sadd.s32 s3, s2  }
0x8d: {  	s2 =	sadd.s32 s2, s14  }
0x8e: {  	[smem:$0x3FBE] =	sst s2  }
0x8f: {  	_ = 	snop  }
0x90: {  	s2 =	sld [smem:$0x3FD0];
	_ =	sdelay $0x2  }
0x91: {  	s15 =	simm.s32 $0xA;
	s4 =	simm.s32 $0x10  }
0x92: {  	[smem:s4], [sflag:s15] =	dma.local [hbm:s2], $0x1  }
0x93: {  	_ =	swait.eq [sflag:s15], $0x1  }
0x94: {  	[sflag:s15] =	ssyncset.done $0x0  }
0x95: {  	[sflag:s15] =	ssyncadd.s32 $0xFFFFFFFF  }
0x96: {  	s16 =	sld [smem:$0x10];
	(tm) =	ssettm $0x1  }
0x97: {  	s17 =	sld [smem:$0x3FFB];
	_ =	sdelay $0x3  }
0x98: {  	_ =	strace s17  }
0x99: {  	s3 =	sld [smem:$0x3FFC];
	_ =	sdelay $0x3  }
0x9a: {  	_ =	strace s3  }
0x9b: {  	s3 =	sld [smem:$0x3FFD];
	_ =	sdelay $0x3  }
0x9c: {  	_ =	strace s3  }
0x9d: {  	_ =	strace $0x8FFFFFFF  }
0x9e: {  	s18 =	sld [smem:$0x3FDB];
	_ =	sdelay $0x1  }
0x9f: {  	s19 =	simm.s32 $_scs_section_size  }
0xa0: {  	s5 =	simm.s32 $_size__tile_overlayer_lowered;
	s6 =	simm.s32 $_tile_overlayer_lowered  }
0xa1: {  	s22 =	simm.s32 $0x1BFF;
	s21 =	sshll.u32 s6, $0x1;
	s3 =	sadd.s32 s19, s18  }
0xa2: {  	s7 =	simm.s32 $0x0;
	s20 =	sshll.u32 s5, $0x1;
	s5 =	sadd.s32 s21, s3  }
0xa3: {  	[timem:s7], [sflag:s22] =	dma.local [hbm:s5], s20  }
0xa4: {  	_ =	swait.ge [sflag:s22], s20  }
0xa5: {  	s4 =	ssub.s32 $0x0, s20;
	[sflag:s22] =	ssyncset.done $0x0  }
0xa6: {  	[sflag:s22] =	ssyncadd.s32 s4;
	_ =	sdelay $0x1  }
0xa7: {  	s23 =	simm.s32 $0x1B8B  }
0xa8: {  	_ =	swait.ge [sflag:s23], $0x1  }
0xa9: {  	[sflag:s23] =	ssyncset.done $0x0  }
0xaa: {  	s25 =	simm.s32 $0x1B8E;
	s24 =	sld [smem:$0x3FFE];
	[sflag:s23] =	ssyncadd.s32 $0xFFFFFFFF  }
0xab: {  	s26 =	simm.s32 $execute0_lowered;
	[smem:$0x3FD2] =	sst s25  }
0xac: {  	s5 =	sshll.u32 s26, $0x1;
	_ =	strace $0x80000046;
	[dreg:$0x1] =	wrdreg $0xFFFFFFFF  }
0xad: {  	s28 =	simm.s32 $_size_execute0_lowered;
	s3 =	sadd.s32 s3, s5;
	[dreg:$0x0] =	wrdreg $0x0  }
0xae: {  	s5 =	sshll.u32 s28, $0x1;
	[dreg:$0x2] =	wrdreg s3  }
0xaf: {  	[dreg:$0x3] =	wrdreg s5  }
0xb0: {  	[dreg:$0x4] =	wrdreg $0xC0  }
0xb1: {  	_ =	task [dreg:s7], $0x5FFFF  }
0xb2: {  	[dreg:$0x1] =	wrdreg $0xFFFFFFFF  }
0xb3: {  	[dreg:$0x0] =	wrdreg $0x60  }
0xb4: {  	[dreg:$0x2] =	wrdreg s24  }
0xb5: {  	[dreg:$0x3] =	wrdreg s16  }
0xb6: {  	[dreg:$0x4] =	wrdreg $0x9  }
0xb7: {  	_ =	task.clear_ibuf [dreg:s7], $0x5FFFF;
	_ =	strace $0x90000046  }
0xb8: {  	s29 =	simm.s32 $0x9;
	_ =	strace $0x80000048  }
0xb9: {  	_ =	swait.ge [sflag:s29], $0x1  }
0xba: {  	[sflag:s29] =	ssyncadd.s32 $0xFFFFFFFF  }
0xbb: {  	_ =	strace $0x90000048  }
0xbc: {  	_ =	sfence  }
0xbd: {  	s30 =	sld [smem:$0x0];
	_ =	sdelay $0x2  }
0xbe: {  	s31 =	sshll.u32 s1, $0xD;
	s1 =	sshrl.u32 s1, $0x2  }
0xbf: {  	s3 =	sand.u32 $0x4000, s31;
	s1 =	sadd.s32 s1, s30  }
0xc0: {  	s0 =	sor.u32 s3, s0;
	s1 =	sshll.u32 s1, $0x11  }
0xc1: {  	s0 =	sor.u32 s1, s0  }
0xc2: {  	s0 =	sadd.s32 $0x8F2B, s0  }
0xc3: {  	[sflag:s0] =	ssyncadd.remote.s32 $0x1  }
0xc4: {  	_ =	sfence.sel $0xFFFF  }
0xc5: {  	[dreg:$0x0] =	wrdreg $0xFFFFFFFF;
	(pc) =	sbr.abs _section_cstart, $3  }
0xc6: {  	[dreg:$0x1] =	wrdreg $0xFFFFFFFF  }
0xc7: {  	_ =	task.clear_ibuf [dreg:s7], $0x2FFFF;
	_ =	strace $0x9FFFFFFF  }
0xc8: {  	(tm) =	ssettm $0x7FFFFFFF  }
0xc9: {  	_ =	shalt  }
tec
execute0_lowered:
.L_overlay_start_1:
0x0: {  	(tag) =	ssettag $0x1  }
0x1: {  	s0 =	srdreg.scid;
	s1 =	stileid.u32  }
0x2: {  	s0 =	sand.u32 $0x1, s0;
	s1 =	sshll.u32 s1, $0x1  }
0x3: {  	s1 =	sor.u32 s0, s1  }
0x4: {  	s1 =	smul.u32 $0x240, s1  }
0x5: {  	s3 =	rddreg [dreg:$0x0]  }
0x6: {  	s4 =	rddreg [dreg:$0x1];
	s2 =	simm.s32 $0x0;
	s1 =	sshrl.u32 s1, $0x3  }
0x7: {  	s8 =	simm.s32 $0x2;
	s21 =	simm.s32 $0x100;
	s5 =	sadd.s32 s1, s3  }
0x8: {  	s15 =	simm.s32 $0x1;
	[smem:$0x7FF] =	sst s2;
	s6 =	sadd.s32 $0x61000, s5  }
0x9: {  	_ =	strace $0x80000047;
	s24 =	sadd.s32 $0x61012, s5;
	[dreg:$0x3] =	wrdreg s6  }
0xa: {  	s1 =	smul.u32 $0x300, s1;
	s26 =	sadd.s32 $0x61024, s5;
	[dreg:$0x4] =	wrdreg s24  }
0xb: {  	s0 =	ssub.s32 $0x2, s0;
	s30 =	sadd.s32 $0x61036, s5;
	[dreg:$0x6] =	wrdreg s26  }
0xc: {  	s29 =	sshrl.u32 s0, $0x1;
	s7 =	sadd.s32 s4, s1;
	[dreg:$0x8] =	wrdreg s30  }
0xd: {  	s0 =	ssub.s32 s0, s29;
	s25 =	sadd.s32 $0x3600, s7;
	[dreg:$0xa] =	wrdreg s7  }
0xe: {  	v2 =	vlaneseq.u32;
	s5 =	sadd.s32 $0x1100, s3;
	s28 =	sadd.s32 $0x6C00, s7;
	[dreg:$0x5] =	wrdreg s25  }
0xf: {  	vm0 =	vmmov $0xffff;
	v1 =	vshrl.u32 v2, $0x3;
	s4 =	sadd.s32 $0x1000, s3;
	s31 =	sadd.s32 $0xA200, s7;
	[dreg:$0x7] =	wrdreg s28  }
0x10: {  	v0 =	vand.u32 $0x7, v2;
	v2 =	vor.u32 $0x8, v2;
	v1 =	vmul.u32 $0x8, v1;
	s6 =	sadd.s32 $0x1200, s3;
	s7 =	smax.u32 s0, $0x1;
	[dreg:$0x9] =	wrdreg s31  }
.LBB2_1:
0x11: {  	s16 =	rddreg [dreg:$0x3]  }
0x12: {  	[tilespmem:s2], [sflag:$0x2] =	stream.linear.gather [hbm4b:s16+s2], $0x90, $0x38;
	[tilespmem:$0x1B100] =	vst v63  }
0x13: {  	_ =	swait.ge [sflag:s8], $0x90  }
0x14: {  	[sflag:s8] =	ssyncset.done $0x0  }
0x15: {  	[sflag:s8] =	ssyncadd.s32 $0xFFFFFF70  }
0x16: {  	v3 =	vld [tilespmem:$0x0];
	_ =	sdelay $0x4  }
0x17: {  	v4 =	vshrl.u32 v3, $0x3  }
0x18: {  	v4 =	vmul.u32 $0x30, v4  }
0x19: {  	v3 =	vand.u32 $0x7, v3  }
0x1a: {  	v3 =	vor.u32 v3, v4  }
0x1b: {  	v4 =	vperm.xlane v3, v0;
	_ =	sdelay $0x1  }
0x1c: {  	v4 =	vadd.s32 v1, v4;
	_ =	sdelay $0x3  }
0x1d: {  	v3 =	vperm.xlane v3, v2  }
0x1e: {  	[tilespmem:s21], [sflag:$0x1] =	stream.indirect_vreg.gather [hbm4b:s4+s2], $0x80, v4, vm0, $0xb8;
	[tilespmem:$0x1B100] =	vst v63  }
0x1f: {  	s0 =	simm.s32 $0x900;
	v3 =	vadd.s32 v1, v3  }
0x20: {  	[tilespmem:s0], [sflag:$0x1] =	stream.indirect_vreg.gather [hbm4b:s5+s2], $0x80, v4, vm0, $0xb8;
	[tilespmem:$0x1B100] =	vst v63  }
0x21: {  	s9 =	simm.s32 $0x1100  }
0x22: {  	[tilespmem:s9], [sflag:$0x1] =	stream.indirect_vreg.gather [hbm4b:s6+s2], $0x80, v4, vm0, $0xb8;
	[tilespmem:$0x1B100] =	vst v63  }
0x23: {  	s10 =	simm.s32 $0x1900  }
0x24: {  	[tilespmem:s10], [sflag:$0x1] =	stream.indirect_vreg.gather [hbm4b:s4+s2], $0x80, v3, vm0, $0xb8;
	[tilespmem:$0x1B100] =	vst v63  }
0x25: {  	s11 =	simm.s32 $0x2100  }
0x26: {  	[tilespmem:s11], [sflag:$0x1] =	stream.indirect_vreg.gather [hbm4b:s5+s2], $0x80, v3, vm0, $0xb8;
	[tilespmem:$0x1B100] =	vst v63  }
0x27: {  	s12 =	simm.s32 $0x2900  }
0x28: {  	[tilespmem:s12], [sflag:$0x1] =	stream.indirect_vreg.gather [hbm4b:s6+s2], $0x80, v3, vm0, $0xb8;
	[tilespmem:$0x1B100] =	vst v63  }
0x29: {  	v3 =	vld [tilespmem:$0x10];
	_ =	sdelay $0x4  }
0x2a: {  	v29 =	vshrl.u32 v3, $0x3  }
0x2b: {  	v4 =	vmul.u32 $0x30, v29  }
0x2c: {  	v3 =	vand.u32 $0x7, v3  }
0x2d: {  	v3 =	vor.u32 v3, v4  }
0x2e: {  	v4 =	vperm.xlane v3, v0;
	_ =	sdelay $0x1  }
0x2f: {  	v4 =	vadd.s32 v1, v4;
	_ =	sdelay $0x3  }
0x30: {  	s13 =	simm.s32 $0x3100;
	v3 =	vperm.xlane v3, v2  }
0x31: {  	[tilespmem:s13], [sflag:$0x1] =	stream.indirect_vreg.gather [hbm4b:s4+s2], $0x80, v4, vm0, $0xb8;
	[tilespmem:$0x1B100] =	vst v63  }
0x32: {  	s14 =	simm.s32 $0x3900;
	v3 =	vadd.s32 v1, v3  }
0x33: {  	[tilespmem:s14], [sflag:$0x1] =	stream.indirect_vreg.gather [hbm4b:s5+s2], $0x80, v4, vm0, $0xb8;
	[tilespmem:$0x1B100] =	vst v63  }
0x34: {  	s16 =	simm.s32 $0x4100  }
0x35: {  	[tilespmem:s16], [sflag:$0x1] =	stream.indirect_vreg.gather [hbm4b:s6+s2], $0x80, v4, vm0, $0xb8;
	[tilespmem:$0x1B100] =	vst v63  }
0x36: {  	s17 =	simm.s32 $0x4900  }
0x37: {  	[tilespmem:s17], [sflag:$0x1] =	stream.indirect_vreg.gather [hbm4b:s4+s2], $0x80, v3, vm0, $0xb8;
	[tilespmem:$0x1B100] =	vst v63  }
0x38: {  	s18 =	simm.s32 $0x5100  }
0x39: {  	[tilespmem:s18], [sflag:$0x1] =	stream.indirect_vreg.gather [hbm4b:s5+s2], $0x80, v3, vm0, $0xb8;
	[tilespmem:$0x1B100] =	vst v63  }
0x3a: {  	s19 =	simm.s32 $0x5900  }
0x3b: {  	[tilespmem:s19], [sflag:$0x1] =	stream.indirect_vreg.gather [hbm4b:s6+s2], $0x80, v3, vm0, $0xb8;
	[tilespmem:$0x1B100] =	vst v63  }
0x3c: {  	v3 =	vld [tilespmem:$0x20];
	_ =	sdelay $0x4  }
0x3d: {  	v30 =	vshrl.u32 v3, $0x3  }
0x3e: {  	v4 =	vmul.u32 $0x30, v30  }
0x3f: {  	v3 =	vand.u32 $0x7, v3  }
0x40: {  	v3 =	vor.u32 v3, v4  }
0x41: {  	v4 =	vperm.xlane v3, v0;
	_ =	sdelay $0x1  }
0x42: {  	v4 =	vadd.s32 v1, v4;
	_ =	sdelay $0x3  }
0x43: {  	s20 =	simm.s32 $0x6100;
	v3 =	vperm.xlane v3, v2  }
0x44: {  	[tilespmem:s20], [sflag:$0x1] =	stream.indirect_vreg.gather [hbm4b:s4+s2], $0x80, v4, vm0, $0xb8;
	[tilespmem:$0x1B100] =	vst v63  }
0x45: {  	s22 =	simm.s32 $0x6900;
	v3 =	vadd.s32 v1, v3  }
0x46: {  	[tilespmem:s22], [sflag:$0x1] =	stream.indirect_vreg.gather [hbm4b:s5+s2], $0x80, v4, vm0, $0xb8;
	[tilespmem:$0x1B100] =	vst v63  }
0x47: {  	s23 =	simm.s32 $0x7100  }
0x48: {  	[tilespmem:s23], [sflag:$0x1] =	stream.indirect_vreg.gather [hbm4b:s6+s2], $0x80, v4, vm0, $0xb8;
	[tilespmem:$0x1B100] =	vst v63  }
0x49: {  	s24 =	simm.s32 $0x7900  }
0x4a: {  	[tilespmem:s24], [sflag:$0x1] =	stream.indirect_vreg.gather [hbm4b:s4+s2], $0x80, v3, vm0, $0xb8;
	[tilespmem:$0x1B100] =	vst v63  }
0x4b: {  	s25 =	simm.s32 $0x8100  }
0x4c: {  	[tilespmem:s25], [sflag:$0x1] =	stream.indirect_vreg.gather [hbm4b:s5+s2], $0x80, v3, vm0, $0xb8;
	[tilespmem:$0x1B100] =	vst v63  }
0x4d: {  	s26 =	simm.s32 $0x8900  }
0x4e: {  	[tilespmem:s26], [sflag:$0x1] =	stream.indirect_vreg.gather [hbm4b:s6+s2], $0x80, v3, vm0, $0xb8;
	[tilespmem:$0x1B100] =	vst v63  }
0x4f: {  	v3 =	vld [tilespmem:$0x30];
	_ =	sdelay $0x4  }
0x50: {  	v31 =	vshrl.u32 v3, $0x3  }
0x51: {  	v4 =	vmul.u32 $0x30, v31  }
0x52: {  	v3 =	vand.u32 $0x7, v3  }
0x53: {  	v3 =	vor.u32 v3, v4  }
0x54: {  	v4 =	vperm.xlane v3, v0;
	_ =	sdelay $0x1  }
0x55: {  	v4 =	vadd.s32 v1, v4;
	_ =	sdelay $0x3  }
0x56: {  	s28 =	simm.s32 $0x9100;
	v3 =	vperm.xlane v3, v2  }
0x57: {  	[tilespmem:s28], [sflag:$0x1] =	stream.indirect_vreg.gather [hbm4b:s4+s2], $0x80, v4, vm0, $0xb8;
	[tilespmem:$0x1B100] =	vst v63  }
0x58: {  	s29 =	simm.s32 $0x9900;
	v3 =	vadd.s32 v1, v3  }
0x59: {  	[tilespmem:s29], [sflag:$0x1] =	stream.indirect_vreg.gather [hbm4b:s5+s2], $0x80, v4, vm0, $0xb8;
	[tilespmem:$0x1B100] =	vst v63  }
0x5a: {  	s30 =	simm.s32 $0xA100  }
0x5b: {  	[tilespmem:s30], [sflag:$0x1] =	stream.indirect_vreg.gather [hbm4b:s6+s2], $0x80, v4, vm0, $0xb8;
	[tilespmem:$0x1B100] =	vst v63  }
0x5c: {  	s31 =	simm.s32 $0xA900  }
0x5d: {  	[tilespmem:s31], [sflag:$0x1] =	stream.indirect_vreg.gather [hbm4b:s4+s2], $0x80, v3, vm0, $0xb8;
	[tilespmem:$0x1B100] =	vst v63  }
0x5e: {  	s13 =	simm.s32 $0xB100  }
0x5f: {  	[tilespmem:s13], [sflag:$0x1] =	stream.indirect_vreg.gather [hbm4b:s5+s2], $0x80, v3, vm0, $0xb8;
	[tilespmem:$0x1B100] =	vst v63  }
0x60: {  	s14 =	simm.s32 $0xB900  }
0x61: {  	[tilespmem:s14], [sflag:$0x1] =	stream.indirect_vreg.gather [hbm4b:s6+s2], $0x80, v3, vm0, $0xb8;
	[tilespmem:$0x1B100] =	vst v63  }
0x62: {  	v3 =	vld [tilespmem:$0x40];
	_ =	sdelay $0x4  }
0x63: {  	v32 =	vshrl.u32 v3, $0x3  }
0x64: {  	v4 =	vmul.u32 $0x30, v32  }
0x65: {  	v3 =	vand.u32 $0x7, v3  }
0x66: {  	v3 =	vor.u32 v3, v4  }
0x67: {  	v4 =	vperm.xlane v3, v0;
	_ =	sdelay $0x1  }
0x68: {  	v4 =	vadd.s32 v1, v4;
	_ =	sdelay $0x3  }
0x69: {  	s19 =	simm.s32 $0xC100;
	v3 =	vperm.xlane v3, v2  }
0x6a: {  	[tilespmem:s19], [sflag:$0x1] =	stream.indirect_vreg.gather [hbm4b:s4+s2], $0x80, v4, vm0, $0xb8;
	[tilespmem:$0x1B100] =	vst v63  }
0x6b: {  	s20 =	simm.s32 $0xC900;
	v3 =	vadd.s32 v1, v3  }
0x6c: {  	[tilespmem:s20], [sflag:$0x1] =	stream.indirect_vreg.gather [hbm4b:s5+s2], $0x80, v4, vm0, $0xb8;
	[tilespmem:$0x1B100] =	vst v63  }
0x6d: {  	s22 =	simm.s32 $0xD100  }
0x6e: {  	[tilespmem:s22], [sflag:$0x1] =	stream.indirect_vreg.gather [hbm4b:s6+s2], $0x80, v4, vm0, $0xb8;
	[tilespmem:$0x1B100] =	vst v63  }
0x6f: {  	s23 =	simm.s32 $0xD900  }
0x70: {  	[tilespmem:s23], [sflag:$0x1] =	stream.indirect_vreg.gather [hbm4b:s4+s2], $0x80, v3, vm0, $0xb8;
	[tilespmem:$0x1B100] =	vst v63  }
0x71: {  	s24 =	simm.s32 $0xE100  }
0x72: {  	[tilespmem:s24], [sflag:$0x1] =	stream.indirect_vreg.gather [hbm4b:s5+s2], $0x80, v3, vm0, $0xb8;
	[tilespmem:$0x1B100] =	vst v63  }
0x73: {  	s25 =	simm.s32 $0xE900  }
0x74: {  	[tilespmem:s25], [sflag:$0x1] =	stream.indirect_vreg.gather [hbm4b:s6+s2], $0x80, v3, vm0, $0xb8;
	[tilespmem:$0x1B100] =	vst v63  }
0x75: {  	v3 =	vld [tilespmem:$0x50];
	_ =	sdelay $0x4  }
0x76: {  	v33 =	vshrl.u32 v3, $0x3  }
0x77: {  	v4 =	vmul.u32 $0x30, v33  }
0x78: {  	v3 =	vand.u32 $0x7, v3  }
0x79: {  	v3 =	vor.u32 v3, v4  }
0x7a: {  	v4 =	vperm.xlane v3, v0;
	_ =	sdelay $0x1  }
0x7b: {  	v4 =	vadd.s32 v1, v4;
	_ =	sdelay $0x3  }
0x7c: {  	s26 =	simm.s32 $0xF100;
	v3 =	vperm.xlane v3, v2  }
0x7d: {  	[tilespmem:s26], [sflag:$0x1] =	stream.indirect_vreg.gather [hbm4b:s4+s2], $0x80, v4, vm0, $0xb8;
	[tilespmem:$0x1B100] =	vst v63  }
0x7e: {  	s28 =	simm.s32 $0xF900;
	v3 =	vadd.s32 v1, v3  }
0x7f: {  	[tilespmem:s28], [sflag:$0x1] =	stream.indirect_vreg.gather [hbm4b:s5+s2], $0x80, v4, vm0, $0xb8;
	[tilespmem:$0x1B100] =	vst v63  }
0x80: {  	s29 =	simm.s32 $0x10100  }
0x81: {  	[tilespmem:s29], [sflag:$0x1] =	stream.indirect_vreg.gather [hbm4b:s6+s2], $0x80, v4, vm0, $0xb8;
	[tilespmem:$0x1B100] =	vst v63  }
0x82: {  	s30 =	simm.s32 $0x10900  }
0x83: {  	[tilespmem:s30], [sflag:$0x1] =	stream.indirect_vreg.gather [hbm4b:s4+s2], $0x80, v3, vm0, $0xb8;
	[tilespmem:$0x1B100] =	vst v63  }
0x84: {  	s31 =	simm.s32 $0x11100  }
0x85: {  	[tilespmem:s31], [sflag:$0x1] =	stream.indirect_vreg.gather [hbm4b:s5+s2], $0x80, v3, vm0, $0xb8;
	[tilespmem:$0x1B100] =	vst v63  }
0x86: {  	s0 =	simm.s32 $0x11900  }
0x87: {  	[tilespmem:s0], [sflag:$0x1] =	stream.indirect_vreg.gather [hbm4b:s6+s2], $0x80, v3, vm0, $0xb8;
	[tilespmem:$0x1B100] =	vst v63  }
0x88: {  	v3 =	vld [tilespmem:$0x60];
	_ =	sdelay $0x4  }
0x89: {  	v34 =	vshrl.u32 v3, $0x3  }
0x8a: {  	v4 =	vmul.u32 $0x30, v34  }
0x8b: {  	v3 =	vand.u32 $0x7, v3  }
0x8c: {  	v3 =	vor.u32 v3, v4  }
0x8d: {  	v4 =	vperm.xlane v3, v0;
	_ =	sdelay $0x1  }
0x8e: {  	v4 =	vadd.s32 v1, v4;
	_ =	sdelay $0x3  }
0x8f: {  	s13 =	simm.s32 $0x12100;
	v3 =	vperm.xlane v3, v2  }
0x90: {  	[tilespmem:s13], [sflag:$0x1] =	stream.indirect_vreg.gather [hbm4b:s4+s2], $0x80, v4, vm0, $0xb8;
	[tilespmem:$0x1B100] =	vst v63  }
0x91: {  	s14 =	simm.s32 $0x12900;
	v3 =	vadd.s32 v1, v3  }
0x92: {  	[tilespmem:s14], [sflag:$0x1] =	stream.indirect_vreg.gather [hbm4b:s5+s2], $0x80, v4, vm0, $0xb8;
	[tilespmem:$0x1B100] =	vst v63  }
0x93: {  	s19 =	simm.s32 $0x13100  }
0x94: {  	[tilespmem:s19], [sflag:$0x1] =	stream.indirect_vreg.gather [hbm4b:s6+s2], $0x80, v4, vm0, $0xb8;
	[tilespmem:$0x1B100] =	vst v63  }
0x95: {  	s20 =	simm.s32 $0x13900  }
0x96: {  	[tilespmem:s20], [sflag:$0x1] =	stream.indirect_vreg.gather [hbm4b:s4+s2], $0x80, v3, vm0, $0xb8;
	[tilespmem:$0x1B100] =	vst v63  }
0x97: {  	s26 =	simm.s32 $0x14100  }
0x98: {  	[tilespmem:s26], [sflag:$0x1] =	stream.indirect_vreg.gather [hbm4b:s5+s2], $0x80, v3, vm0, $0xb8;
	[tilespmem:$0x1B100] =	vst v63  }
0x99: {  	s28 =	simm.s32 $0x14900  }
0x9a: {  	[tilespmem:s28], [sflag:$0x1] =	stream.indirect_vreg.gather [hbm4b:s6+s2], $0x80, v3, vm0, $0xb8;
	[tilespmem:$0x1B100] =	vst v63  }
0x9b: {  	v3 =	vld [tilespmem:$0x70];
	_ =	sdelay $0x4  }
0x9c: {  	v35 =	vshrl.u32 v3, $0x3  }
0x9d: {  	v4 =	vmul.u32 $0x30, v35  }
0x9e: {  	v3 =	vand.u32 $0x7, v3  }
0x9f: {  	v3 =	vor.u32 v3, v4  }
0xa0: {  	v4 =	vperm.xlane v3, v0;
	_ =	sdelay $0x1  }
0xa1: {  	v4 =	vadd.s32 v1, v4;
	_ =	sdelay $0x3  }
0xa2: {  	s29 =	simm.s32 $0x15100;
	v3 =	vperm.xlane v3, v2  }
0xa3: {  	[tilespmem:s29], [sflag:$0x1] =	stream.indirect_vreg.gather [hbm4b:s4+s2], $0x80, v4, vm0, $0xb8;
	[tilespmem:$0x1B100] =	vst v63  }
0xa4: {  	s30 =	simm.s32 $0x15900;
	v3 =	vadd.s32 v1, v3  }
0xa5: {  	[tilespmem:s30], [sflag:$0x1] =	stream.indirect_vreg.gather [hbm4b:s5+s2], $0x80, v4, vm0, $0xb8;
	[tilespmem:$0x1B100] =	vst v63  }
0xa6: {  	s31 =	simm.s32 $0x16100  }
0xa7: {  	[tilespmem:s31], [sflag:$0x1] =	stream.indirect_vreg.gather [hbm4b:s6+s2], $0x80, v4, vm0, $0xb8;
	[tilespmem:$0x1B100] =	vst v63  }
0xa8: {  	s0 =	simm.s32 $0x16900  }
0xa9: {  	[tilespmem:s0], [sflag:$0x1] =	stream.indirect_vreg.gather [hbm4b:s4+s2], $0x80, v3, vm0, $0xb8;
	[tilespmem:$0x1B100] =	vst v63  }
0xaa: {  	s13 =	simm.s32 $0x17100  }
0xab: {  	[tilespmem:s13], [sflag:$0x1] =	stream.indirect_vreg.gather [hbm4b:s5+s2], $0x80, v3, vm0, $0xb8;
	[tilespmem:$0x1B100] =	vst v63  }
0xac: {  	s14 =	simm.s32 $0x17900  }
0xad: {  	[tilespmem:s14], [sflag:$0x1] =	stream.indirect_vreg.gather [hbm4b:s6+s2], $0x80, v3, vm0, $0xb8;
	[tilespmem:$0x1B100] =	vst v63  }
0xae: {  	v3 =	vld [tilespmem:$0x80];
	_ =	sdelay $0x4  }
0xaf: {  	v36 =	vshrl.u32 v3, $0x3  }
0xb0: {  	v4 =	vmul.u32 $0x30, v36  }
0xb1: {  	v3 =	vand.u32 $0x7, v3  }
0xb2: {  	v3 =	vor.u32 v3, v4  }
0xb3: {  	v4 =	vperm.xlane v3, v0;
	_ =	sdelay $0x1  }
0xb4: {  	v4 =	vadd.s32 v1, v4;
	_ =	sdelay $0x3  }
0xb5: {  	s19 =	simm.s32 $0x18100;
	v3 =	vperm.xlane v3, v2  }
0xb6: {  	[tilespmem:s19], [sflag:$0x1] =	stream.indirect_vreg.gather [hbm4b:s4+s2], $0x80, v4, vm0, $0xb8;
	[tilespmem:$0x1B100] =	vst v63  }
0xb7: {  	s20 =	simm.s32 $0x18900;
	v3 =	vadd.s32 v1, v3  }
0xb8: {  	[tilespmem:s20], [sflag:$0x1] =	stream.indirect_vreg.gather [hbm4b:s5+s2], $0x80, v4, vm0, $0xb8;
	[tilespmem:$0x1B100] =	vst v63  }
0xb9: {  	s31 =	simm.s32 $0x19100  }
0xba: {  	[tilespmem:s31], [sflag:$0x1] =	stream.indirect_vreg.gather [hbm4b:s6+s2], $0x80, v4, vm0, $0xb8;
	[tilespmem:$0x1B100] =	vst v63  }
0xbb: {  	s0 =	simm.s32 $0x19900  }
0xbc: {  	[tilespmem:s0], [sflag:$0x1] =	stream.indirect_vreg.gather [hbm4b:s4+s2], $0x80, v3, vm0, $0xb8;
	[tilespmem:$0x1B100] =	vst v63  }
0xbd: {  	s13 =	simm.s32 $0x1A100  }
0xbe: {  	[tilespmem:s13], [sflag:$0x1] =	stream.indirect_vreg.gather [hbm4b:s5+s2], $0x80, v3, vm0, $0xb8;
	[tilespmem:$0x1B100] =	vst v63  }
0xbf: {  	s14 =	simm.s32 $0x1A900  }
0xc0: {  	[tilespmem:s14], [sflag:$0x1] =	stream.indirect_vreg.gather [hbm4b:s6+s2], $0x80, v3, vm0, $0xb8;
	[tilespmem:$0x1B100] =	vst v63  }
0xc1: {  	_ =	swait.ge [sflag:s15], $0x1B000  }
0xc2: {  	[sflag:s15] =	ssyncset.done $0x0  }
0xc3: {  	s19 =	rddreg [dreg:$0xa];
	[sflag:s15] =	ssyncadd.s32 $0xFFFE5000  }
0xc4: {  	[hbm4b:s19+s2] =	stream.linear.scatter [tilespmem:s21], [sflag:$0x2], $0x1B000, $0x38;
	[tilespmem:$0x1B100] =	vst v63  }
0xc5: {  	_ =	swait.ge [sflag:s8], $0x1B000  }
0xc6: {  	[sflag:s8] =	ssyncset.done $0x0  }
0xc7: {  	s20 =	rddreg [dreg:$0x4];
	[sflag:s8] =	ssyncadd.s32 $0xFFFE5000  }
0xc8: {  	[tilespmem:s2], [sflag:$0x2] =	stream.linear.gather [hbm4b:s20+s2], $0x90, $0x38;
	[tilespmem:$0x1B100] =	vst v63  }
0xc9: {  	_ =	swait.ge [sflag:s8], $0x90  }
0xca: {  	[sflag:s8] =	ssyncset.done $0x0  }
0xcb: {  	[sflag:s8] =	ssyncadd.s32 $0xFFFFFF70  }
0xcc: {  	v3 =	vld [tilespmem:$0x0];
	_ =	sdelay $0x4  }
0xcd: {  	v37 =	vshrl.u32 v3, $0x3  }
0xce: {  	v4 =	vmul.u32 $0x30, v37  }
0xcf: {  	v3 =	vand.u32 $0x7, v3  }
0xd0: {  	v3 =	vor.u32 v3, v4  }
0xd1: {  	v4 =	vperm.xlane v3, v0;
	_ =	sdelay $0x1  }
0xd2: {  	v4 =	vadd.s32 v1, v4;
	_ =	sdelay $0x3  }
0xd3: {  	v3 =	vperm.xlane v3, v2  }
0xd4: {  	[tilespmem:s21], [sflag:$0x1] =	stream.indirect_vreg.gather [hbm4b:s4+s2], $0x80, v4, vm0, $0xb8;
	[tilespmem:$0x1B100] =	vst v63  }
0xd5: {  	s1 =	simm.s32 $0x900;
	v3 =	vadd.s32 v1, v3  }
0xd6: {  	[tilespmem:s1], [sflag:$0x1] =	stream.indirect_vreg.gather [hbm4b:s5+s2], $0x80, v4, vm0, $0xb8;
	[tilespmem:$0x1B100] =	vst v63  }
0xd7: {  	s3 =	simm.s32 $0x1100  }
0xd8: {  	[tilespmem:s3], [sflag:$0x1] =	stream.indirect_vreg.gather [hbm4b:s6+s2], $0x80, v4, vm0, $0xb8;
	[tilespmem:$0x1B100] =	vst v63  }
0xd9: {  	s9 =	simm.s32 $0x1900  }
0xda: {  	[tilespmem:s9], [sflag:$0x1] =	stream.indirect_vreg.gather [hbm4b:s4+s2], $0x80, v3, vm0, $0xb8;
	[tilespmem:$0x1B100] =	vst v63  }
0xdb: {  	s10 =	simm.s32 $0x2100  }
0xdc: {  	[tilespmem:s10], [sflag:$0x1] =	stream.indirect_vreg.gather [hbm4b:s5+s2], $0x80, v3, vm0, $0xb8;
	[tilespmem:$0x1B100] =	vst v63  }
0xdd: {  	s11 =	simm.s32 $0x2900  }
0xde: {  	[tilespmem:s11], [sflag:$0x1] =	stream.indirect_vreg.gather [hbm4b:s6+s2], $0x80, v3, vm0, $0xb8;
	[tilespmem:$0x1B100] =	vst v63  }
0xdf: {  	v3 =	vld [tilespmem:$0x10];
	_ =	sdelay $0x4  }
0xe0: {  	v38 =	vshrl.u32 v3, $0x3  }
0xe1: {  	v4 =	vmul.u32 $0x30, v38  }
0xe2: {  	v3 =	vand.u32 $0x7, v3  }
0xe3: {  	v3 =	vor.u32 v3, v4  }
0xe4: {  	v4 =	vperm.xlane v3, v0;
	_ =	sdelay $0x1  }
0xe5: {  	v4 =	vadd.s32 v1, v4;
	_ =	sdelay $0x3  }
0xe6: {  	s12 =	simm.s32 $0x3100;
	v3 =	vperm.xlane v3, v2  }
0xe7: {  	[tilespmem:s12], [sflag:$0x1] =	stream.indirect_vreg.gather [hbm4b:s4+s2], $0x80, v4, vm0, $0xb8;
	[tilespmem:$0x1B100] =	vst v63  }
0xe8: {  	s11 =	simm.s32 $0x3900;
	v3 =	vadd.s32 v1, v3  }
0xe9: {  	[tilespmem:s11], [sflag:$0x1] =	stream.indirect_vreg.gather [hbm4b:s5+s2], $0x80, v4, vm0, $0xb8;
	[tilespmem:$0x1B100] =	vst v63  }
0xea: {  	s12 =	simm.s32 $0x4100  }
0xeb: {  	[tilespmem:s12], [sflag:$0x1] =	stream.indirect_vreg.gather [hbm4b:s6+s2], $0x80, v4, vm0, $0xb8;
	[tilespmem:$0x1B100] =	vst v63  }
0xec: {  	s13 =	simm.s32 $0x4900  }
0xed: {  	[tilespmem:s13], [sflag:$0x1] =	stream.indirect_vreg.gather [hbm4b:s4+s2], $0x80, v3, vm0, $0xb8;
	[tilespmem:$0x1B100] =	vst v63  }
0xee: {  	s14 =	simm.s32 $0x5100  }
0xef: {  	[tilespmem:s14], [sflag:$0x1] =	stream.indirect_vreg.gather [hbm4b:s5+s2], $0x80, v3, vm0, $0xb8;
	[tilespmem:$0x1B100] =	vst v63  }
0xf0: {  	s17 =	simm.s32 $0x5900  }
0xf1: {  	[tilespmem:s17], [sflag:$0x1] =	stream.indirect_vreg.gather [hbm4b:s6+s2], $0x80, v3, vm0, $0xb8;
	[tilespmem:$0x1B100] =	vst v63  }
0xf2: {  	v3 =	vld [tilespmem:$0x20];
	_ =	sdelay $0x4  }
0xf3: {  	v39 =	vshrl.u32 v3, $0x3  }
0xf4: {  	v4 =	vmul.u32 $0x30, v39  }
0xf5: {  	v3 =	vand.u32 $0x7, v3  }
0xf6: {  	v3 =	vor.u32 v3, v4  }
0xf7: {  	v4 =	vperm.xlane v3, v0;
	_ =	sdelay $0x1  }
0xf8: {  	v4 =	vadd.s32 v1, v4;
	_ =	sdelay $0x3  }
0xf9: {  	s18 =	simm.s32 $0x6100;
	v3 =	vperm.xlane v3, v2  }
0xfa: {  	[tilespmem:s18], [sflag:$0x1] =	stream.indirect_vreg.gather [hbm4b:s4+s2], $0x80, v4, vm0, $0xb8;
	[tilespmem:$0x1B100] =	vst v63  }
0xfb: {  	s17 =	simm.s32 $0x6900;
	v3 =	vadd.s32 v1, v3  }
0xfc: {  	[tilespmem:s17], [sflag:$0x1] =	stream.indirect_vreg.gather [hbm4b:s5+s2], $0x80, v4, vm0, $0xb8;
	[tilespmem:$0x1B100] =	vst v63  }
0xfd: {  	s18 =	simm.s32 $0x7100  }
0xfe: {  	[tilespmem:s18], [sflag:$0x1] =	stream.indirect_vreg.gather [hbm4b:s6+s2], $0x80, v4, vm0, $0xb8;
	[tilespmem:$0x1B100] =	vst v63  }
0xff: {  	s1 =	simm.s32 $0x7900  }
0x100: {  	[tilespmem:s1], [sflag:$0x1] =	stream.indirect_vreg.gather [hbm4b:s4+s2], $0x80, v3, vm0, $0xb8;
	[tilespmem:$0x1B100] =	vst v63  }
0x101: {  	s0 =	simm.s32 $0x8100  }
0x102: {  	[tilespmem:s0], [sflag:$0x1] =	stream.indirect_vreg.gather [hbm4b:s5+s2], $0x80, v3, vm0, $0xb8;
	[tilespmem:$0x1B100] =	vst v63  }
0x103: {  	s19 =	simm.s32 $0x8900  }
0x104: {  	[tilespmem:s19], [sflag:$0x1] =	stream.indirect_vreg.gather [hbm4b:s6+s2], $0x80, v3, vm0, $0xb8;
	[tilespmem:$0x1B100] =	vst v63  }
0x105: {  	v3 =	vld [tilespmem:$0x30];
	_ =	sdelay $0x4  }
0x106: {  	v40 =	vshrl.u32 v3, $0x3  }
0x107: {  	v4 =	vmul.u32 $0x30, v40  }
0x108: {  	v3 =	vand.u32 $0x7, v3  }
0x109: {  	v3 =	vor.u32 v3, v4  }
0x10a: {  	v4 =	vperm.xlane v3, v0;
	_ =	sdelay $0x1  }
0x10b: {  	v4 =	vadd.s32 v1, v4;
	_ =	sdelay $0x3  }
0x10c: {  	s20 =	simm.s32 $0x9100;
	v3 =	vperm.xlane v3, v2  }
0x10d: {  	[tilespmem:s20], [sflag:$0x1] =	stream.indirect_vreg.gather [hbm4b:s4+s2], $0x80, v4, vm0, $0xb8;
	[tilespmem:$0x1B100] =	vst v63  }
0x10e: {  	s3 =	simm.s32 $0x9900;
	v3 =	vadd.s32 v1, v3  }
0x10f: {  	[tilespmem:s3], [sflag:$0x1] =	stream.indirect_vreg.gather [hbm4b:s5+s2], $0x80, v4, vm0, $0xb8;
	[tilespmem:$0x1B100] =	vst v63  }
0x110: {  	s9 =	simm.s32 $0xA100  }
0x111: {  	[tilespmem:s9], [sflag:$0x1] =	stream.indirect_vreg.gather [hbm4b:s6+s2], $0x80, v4, vm0, $0xb8;
	[tilespmem:$0x1B100] =	vst v63  }
0x112: {  	s10 =	simm.s32 $0xA900  }
0x113: {  	[tilespmem:s10], [sflag:$0x1] =	stream.indirect_vreg.gather [hbm4b:s4+s2], $0x80, v3, vm0, $0xb8;
	[tilespmem:$0x1B100] =	vst v63  }
0x114: {  	s16 =	simm.s32 $0xB100  }
0x115: {  	[tilespmem:s16], [sflag:$0x1] =	stream.indirect_vreg.gather [hbm4b:s5+s2], $0x80, v3, vm0, $0xb8;
	[tilespmem:$0x1B100] =	vst v63  }
0x116: {  	s16 =	simm.s32 $0xB900  }
0x117: {  	[tilespmem:s16], [sflag:$0x1] =	stream.indirect_vreg.gather [hbm4b:s6+s2], $0x80, v3, vm0, $0xb8;
	[tilespmem:$0x1B100] =	vst v63  }
0x118: {  	v3 =	vld [tilespmem:$0x40];
	_ =	sdelay $0x4  }
0x119: {  	v41 =	vshrl.u32 v3, $0x3  }
0x11a: {  	v4 =	vmul.u32 $0x30, v41  }
0x11b: {  	v3 =	vand.u32 $0x7, v3  }
0x11c: {  	v3 =	vor.u32 v3, v4  }
0x11d: {  	v4 =	vperm.xlane v3, v0;
	_ =	sdelay $0x1  }
0x11e: {  	v4 =	vadd.s32 v1, v4;
	_ =	sdelay $0x3  }
0x11f: {  	s16 =	simm.s32 $0xC100;
	v3 =	vperm.xlane v3, v2  }
0x120: {  	[tilespmem:s16], [sflag:$0x1] =	stream.indirect_vreg.gather [hbm4b:s4+s2], $0x80, v4, vm0, $0xb8;
	[tilespmem:$0x1B100] =	vst v63  }
0x121: {  	v3 =	vadd.s32 v1, v3;
	s16 =	simm.s32 $0xC900  }
0x122: {  	[tilespmem:s16], [sflag:$0x1] =	stream.indirect_vreg.gather [hbm4b:s5+s2], $0x80, v4, vm0, $0xb8;
	[tilespmem:$0x1B100] =	vst v63  }
0x123: {  	s16 =	simm.s32 $0xD100  }
0x124: {  	[tilespmem:s16], [sflag:$0x1] =	stream.indirect_vreg.gather [hbm4b:s6+s2], $0x80, v4, vm0, $0xb8;
	[tilespmem:$0x1B100] =	vst v63  }
0x125: {  	s16 =	simm.s32 $0xD900  }
0x126: {  	[tilespmem:s16], [sflag:$0x1] =	stream.indirect_vreg.gather [hbm4b:s4+s2], $0x80, v3, vm0, $0xb8;
	[tilespmem:$0x1B100] =	vst v63  }
0x127: {  	s16 =	simm.s32 $0xE100  }
0x128: {  	[tilespmem:s16], [sflag:$0x1] =	stream.indirect_vreg.gather [hbm4b:s5+s2], $0x80, v3, vm0, $0xb8;
	[tilespmem:$0x1B100] =	vst v63  }
0x129: {  	s22 =	simm.s32 $0xE900  }
0x12a: {  	[tilespmem:s22], [sflag:$0x1] =	stream.indirect_vreg.gather [hbm4b:s6+s2], $0x80, v3, vm0, $0xb8;
	[tilespmem:$0x1B100] =	vst v63  }
0x12b: {  	v3 =	vld [tilespmem:$0x50];
	_ =	sdelay $0x4  }
0x12c: {  	v42 =	vshrl.u32 v3, $0x3  }
0x12d: {  	v4 =	vmul.u32 $0x30, v42  }
0x12e: {  	v3 =	vand.u32 $0x7, v3  }
0x12f: {  	v3 =	vor.u32 v3, v4  }
0x130: {  	v4 =	vperm.xlane v3, v0;
	_ =	sdelay $0x1  }
0x131: {  	v4 =	vadd.s32 v1, v4;
	_ =	sdelay $0x3  }
0x132: {  	s23 =	simm.s32 $0xF100;
	v3 =	vperm.xlane v3, v2  }
0x133: {  	[tilespmem:s23], [sflag:$0x1] =	stream.indirect_vreg.gather [hbm4b:s4+s2], $0x80, v4, vm0, $0xb8;
	[tilespmem:$0x1B100] =	vst v63  }
0x134: {  	s22 =	simm.s32 $0xF900;
	v3 =	vadd.s32 v1, v3  }
0x135: {  	[tilespmem:s22], [sflag:$0x1] =	stream.indirect_vreg.gather [hbm4b:s5+s2], $0x80, v4, vm0, $0xb8;
	[tilespmem:$0x1B100] =	vst v63  }
0x136: {  	s23 =	simm.s32 $0x10100  }
0x137: {  	[tilespmem:s23], [sflag:$0x1] =	stream.indirect_vreg.gather [hbm4b:s6+s2], $0x80, v4, vm0, $0xb8;
	[tilespmem:$0x1B100] =	vst v63  }
0x138: {  	s22 =	simm.s32 $0x10900  }
0x139: {  	[tilespmem:s22], [sflag:$0x1] =	stream.indirect_vreg.gather [hbm4b:s4+s2], $0x80, v3, vm0, $0xb8;
	[tilespmem:$0x1B100] =	vst v63  }
0x13a: {  	s23 =	simm.s32 $0x11100  }
0x13b: {  	[tilespmem:s23], [sflag:$0x1] =	stream.indirect_vreg.gather [hbm4b:s5+s2], $0x80, v3, vm0, $0xb8;
	[tilespmem:$0x1B100] =	vst v63  }
0x13c: {  	s24 =	simm.s32 $0x11900  }
0x13d: {  	[tilespmem:s24], [sflag:$0x1] =	stream.indirect_vreg.gather [hbm4b:s6+s2], $0x80, v3, vm0, $0xb8;
	[tilespmem:$0x1B100] =	vst v63  }
0x13e: {  	v3 =	vld [tilespmem:$0x60];
	_ =	sdelay $0x4  }
0x13f: {  	v43 =	vshrl.u32 v3, $0x3  }
0x140: {  	v4 =	vmul.u32 $0x30, v43  }
0x141: {  	v3 =	vand.u32 $0x7, v3  }
0x142: {  	v3 =	vor.u32 v3, v4  }
0x143: {  	v4 =	vperm.xlane v3, v0;
	_ =	sdelay $0x1  }
0x144: {  	v4 =	vadd.s32 v1, v4;
	_ =	sdelay $0x3  }
0x145: {  	s25 =	simm.s32 $0x12100;
	v3 =	vperm.xlane v3, v2  }
0x146: {  	[tilespmem:s25], [sflag:$0x1] =	stream.indirect_vreg.gather [hbm4b:s4+s2], $0x80, v4, vm0, $0xb8;
	[tilespmem:$0x1B100] =	vst v63  }
0x147: {  	s22 =	simm.s32 $0x12900;
	v3 =	vadd.s32 v1, v3  }
0x148: {  	[tilespmem:s22], [sflag:$0x1] =	stream.indirect_vreg.gather [hbm4b:s5+s2], $0x80, v4, vm0, $0xb8;
	[tilespmem:$0x1B100] =	vst v63  }
0x149: {  	s23 =	simm.s32 $0x13100  }
0x14a: {  	[tilespmem:s23], [sflag:$0x1] =	stream.indirect_vreg.gather [hbm4b:s6+s2], $0x80, v4, vm0, $0xb8;
	[tilespmem:$0x1B100] =	vst v63  }
0x14b: {  	s24 =	simm.s32 $0x13900  }
0x14c: {  	[tilespmem:s24], [sflag:$0x1] =	stream.indirect_vreg.gather [hbm4b:s4+s2], $0x80, v3, vm0, $0xb8;
	[tilespmem:$0x1B100] =	vst v63  }
0x14d: {  	s25 =	simm.s32 $0x14100  }
0x14e: {  	[tilespmem:s25], [sflag:$0x1] =	stream.indirect_vreg.gather [hbm4b:s5+s2], $0x80, v3, vm0, $0xb8;
	[tilespmem:$0x1B100] =	vst v63  }
0x14f: {  	s26 =	simm.s32 $0x14900  }
0x150: {  	[tilespmem:s26], [sflag:$0x1] =	stream.indirect_vreg.gather [hbm4b:s6+s2], $0x80, v3, vm0, $0xb8;
	[tilespmem:$0x1B100] =	vst v63  }
0x151: {  	v3 =	vld [tilespmem:$0x70];
	_ =	sdelay $0x4  }
0x152: {  	v44 =	vshrl.u32 v3, $0x3  }
0x153: {  	v4 =	vmul.u32 $0x30, v44  }
0x154: {  	v3 =	vand.u32 $0x7, v3  }
0x155: {  	v3 =	vor.u32 v3, v4  }
0x156: {  	v4 =	vperm.xlane v3, v0;
	_ =	sdelay $0x1  }
0x157: {  	v4 =	vadd.s32 v1, v4;
	_ =	sdelay $0x3  }
0x158: {  	s28 =	simm.s32 $0x15100;
	v3 =	vperm.xlane v3, v2  }
0x159: {  	[tilespmem:s28], [sflag:$0x1] =	stream.indirect_vreg.gather [hbm4b:s4+s2], $0x80, v4, vm0, $0xb8;
	[tilespmem:$0x1B100] =	vst v63  }
0x15a: {  	v3 =	vadd.s32 v1, v3;
	s28 =	simm.s32 $0x15900  }
0x15b: {  	[tilespmem:s28], [sflag:$0x1] =	stream.indirect_vreg.gather [hbm4b:s5+s2], $0x80, v4, vm0, $0xb8;
	[tilespmem:$0x1B100] =	vst v63  }
0x15c: {  	s22 =	simm.s32 $0x16100  }
0x15d: {  	[tilespmem:s22], [sflag:$0x1] =	stream.indirect_vreg.gather [hbm4b:s6+s2], $0x80, v4, vm0, $0xb8;
	[tilespmem:$0x1B100] =	vst v63  }
0x15e: {  	s23 =	simm.s32 $0x16900  }
0x15f: {  	[tilespmem:s23], [sflag:$0x1] =	stream.indirect_vreg.gather [hbm4b:s4+s2], $0x80, v3, vm0, $0xb8;
	[tilespmem:$0x1B100] =	vst v63  }
0x160: {  	s24 =	simm.s32 $0x17100  }
0x161: {  	[tilespmem:s24], [sflag:$0x1] =	stream.indirect_vreg.gather [hbm4b:s5+s2], $0x80, v3, vm0, $0xb8;
	[tilespmem:$0x1B100] =	vst v63  }
0x162: {  	s29 =	simm.s32 $0x17900  }
0x163: {  	[tilespmem:s29], [sflag:$0x1] =	stream.indirect_vreg.gather [hbm4b:s6+s2], $0x80, v3, vm0, $0xb8;
	[tilespmem:$0x1B100] =	vst v63  }
0x164: {  	v3 =	vld [tilespmem:$0x80];
	_ =	sdelay $0x4  }
0x165: {  	v45 =	vshrl.u32 v3, $0x3  }
0x166: {  	v4 =	vmul.u32 $0x30, v45  }
0x167: {  	v3 =	vand.u32 $0x7, v3  }
0x168: {  	v3 =	vor.u32 v3, v4  }
0x169: {  	v4 =	vperm.xlane v3, v0;
	_ =	sdelay $0x1  }
0x16a: {  	v4 =	vadd.s32 v1, v4;
	_ =	sdelay $0x3  }
0x16b: {  	s30 =	simm.s32 $0x18100;
	v3 =	vperm.xlane v3, v2  }
0x16c: {  	[tilespmem:s30], [sflag:$0x1] =	stream.indirect_vreg.gather [hbm4b:s4+s2], $0x80, v4, vm0, $0xb8;
	[tilespmem:$0x1B100] =	vst v63  }
0x16d: {  	s25 =	simm.s32 $0x18900;
	v3 =	vadd.s32 v1, v3  }
0x16e: {  	[tilespmem:s25], [sflag:$0x1] =	stream.indirect_vreg.gather [hbm4b:s5+s2], $0x80, v4, vm0, $0xb8;
	[tilespmem:$0x1B100] =	vst v63  }
0x16f: {  	s26 =	simm.s32 $0x19100  }
0x170: {  	[tilespmem:s26], [sflag:$0x1] =	stream.indirect_vreg.gather [hbm4b:s6+s2], $0x80, v4, vm0, $0xb8;
	[tilespmem:$0x1B100] =	vst v63  }
0x171: {  	s28 =	simm.s32 $0x19900  }
0x172: {  	[tilespmem:s28], [sflag:$0x1] =	stream.indirect_vreg.gather [hbm4b:s4+s2], $0x80, v3, vm0, $0xb8;
	[tilespmem:$0x1B100] =	vst v63  }
0x173: {  	s29 =	simm.s32 $0x1A100  }
0x174: {  	[tilespmem:s29], [sflag:$0x1] =	stream.indirect_vreg.gather [hbm4b:s5+s2], $0x80, v3, vm0, $0xb8;
	[tilespmem:$0x1B100] =	vst v63  }
0x175: {  	s31 =	simm.s32 $0x1A900  }
0x176: {  	[tilespmem:s31], [sflag:$0x1] =	stream.indirect_vreg.gather [hbm4b:s6+s2], $0x80, v3, vm0, $0xb8;
	[tilespmem:$0x1B100] =	vst v63  }
0x177: {  	_ =	swait.ge [sflag:s15], $0x1B000  }
0x178: {  	[sflag:s15] =	ssyncset.done $0x0  }
0x179: {  	s30 =	rddreg [dreg:$0x5];
	[sflag:s15] =	ssyncadd.s32 $0xFFFE5000  }
0x17a: {  	[hbm4b:s30+s2] =	stream.linear.scatter [tilespmem:s21], [sflag:$0x2], $0x1B000, $0x38;
	[tilespmem:$0x1B100] =	vst v63  }
0x17b: {  	_ =	swait.ge [sflag:s8], $0x1B000  }
0x17c: {  	[sflag:s8] =	ssyncset.done $0x0  }
0x17d: {  	s31 =	rddreg [dreg:$0x6];
	[sflag:s8] =	ssyncadd.s32 $0xFFFE5000  }
0x17e: {  	[tilespmem:s2], [sflag:$0x2] =	stream.linear.gather [hbm4b:s31+s2], $0x90, $0x38;
	[tilespmem:$0x1B100] =	vst v63  }
0x17f: {  	_ =	swait.ge [sflag:s8], $0x90  }
0x180: {  	[sflag:s8] =	ssyncset.done $0x0  }
0x181: {  	[sflag:s8] =	ssyncadd.s32 $0xFFFFFF70  }
0x182: {  	v3 =	vld [tilespmem:$0x0];
	_ =	sdelay $0x4  }
0x183: {  	v46 =	vshrl.u32 v3, $0x3  }
0x184: {  	v4 =	vmul.u32 $0x30, v46  }
0x185: {  	v3 =	vand.u32 $0x7, v3  }
0x186: {  	v3 =	vor.u32 v3, v4  }
0x187: {  	v4 =	vperm.xlane v3, v0;
	_ =	sdelay $0x1  }
0x188: {  	v4 =	vadd.s32 v1, v4;
	_ =	sdelay $0x3  }
0x189: {  	v3 =	vperm.xlane v3, v2  }
0x18a: {  	[tilespmem:s21], [sflag:$0x1] =	stream.indirect_vreg.gather [hbm4b:s4+s2], $0x80, v4, vm0, $0xb8;
	[tilespmem:$0x1B100] =	vst v63  }
0x18b: {  	s22 =	simm.s32 $0x900;
	v3 =	vadd.s32 v1, v3  }
0x18c: {  	[tilespmem:s22], [sflag:$0x1] =	stream.indirect_vreg.gather [hbm4b:s5+s2], $0x80, v4, vm0, $0xb8;
	[tilespmem:$0x1B100] =	vst v63  }
0x18d: {  	s23 =	simm.s32 $0x1100  }
0x18e: {  	[tilespmem:s23], [sflag:$0x1] =	stream.indirect_vreg.gather [hbm4b:s6+s2], $0x80, v4, vm0, $0xb8;
	[tilespmem:$0x1B100] =	vst v63  }
0x18f: {  	s24 =	simm.s32 $0x1900  }
0x190: {  	[tilespmem:s24], [sflag:$0x1] =	stream.indirect_vreg.gather [hbm4b:s4+s2], $0x80, v3, vm0, $0xb8;
	[tilespmem:$0x1B100] =	vst v63  }
0x191: {  	s25 =	simm.s32 $0x2100  }
0x192: {  	[tilespmem:s25], [sflag:$0x1] =	stream.indirect_vreg.gather [hbm4b:s5+s2], $0x80, v3, vm0, $0xb8;
	[tilespmem:$0x1B100] =	vst v63  }
0x193: {  	s26 =	simm.s32 $0x2900  }
0x194: {  	[tilespmem:s26], [sflag:$0x1] =	stream.indirect_vreg.gather [hbm4b:s6+s2], $0x80, v3, vm0, $0xb8;
	[tilespmem:$0x1B100] =	vst v63  }
0x195: {  	v3 =	vld [tilespmem:$0x10];
	_ =	sdelay $0x4  }
0x196: {  	v47 =	vshrl.u32 v3, $0x3  }
0x197: {  	v4 =	vmul.u32 $0x30, v47  }
0x198: {  	v3 =	vand.u32 $0x7, v3  }
0x199: {  	v3 =	vor.u32 v3, v4  }
0x19a: {  	v4 =	vperm.xlane v3, v0;
	_ =	sdelay $0x1  }
0x19b: {  	v4 =	vadd.s32 v1, v4;
	_ =	sdelay $0x3  }
0x19c: {  	s28 =	simm.s32 $0x3100;
	v3 =	vperm.xlane v3, v2  }
0x19d: {  	[tilespmem:s28], [sflag:$0x1] =	stream.indirect_vreg.gather [hbm4b:s4+s2], $0x80, v4, vm0, $0xb8;
	[tilespmem:$0x1B100] =	vst v63  }
0x19e: {  	v3 =	vadd.s32 v1, v3  }
0x19f: {  	[tilespmem:s11], [sflag:$0x1] =	stream.indirect_vreg.gather [hbm4b:s5+s2], $0x80, v4, vm0, $0xb8;
	[tilespmem:$0x1B100] =	vst v63  }
0x1a0: {  	_ = 	snop  }
0x1a1: {  	[tilespmem:s12], [sflag:$0x1] =	stream.indirect_vreg.gather [hbm4b:s6+s2], $0x80, v4, vm0, $0xb8;
	[tilespmem:$0x1B100] =	vst v63  }
0x1a2: {  	_ = 	snop  }
0x1a3: {  	[tilespmem:s13], [sflag:$0x1] =	stream.indirect_vreg.gather [hbm4b:s4+s2], $0x80, v3, vm0, $0xb8;
	[tilespmem:$0x1B100] =	vst v63  }
0x1a4: {  	_ = 	snop  }
0x1a5: {  	[tilespmem:s14], [sflag:$0x1] =	stream.indirect_vreg.gather [hbm4b:s5+s2], $0x80, v3, vm0, $0xb8;
	[tilespmem:$0x1B100] =	vst v63  }
0x1a6: {  	s29 =	simm.s32 $0x5900  }
0x1a7: {  	[tilespmem:s29], [sflag:$0x1] =	stream.indirect_vreg.gather [hbm4b:s6+s2], $0x80, v3, vm0, $0xb8;
	[tilespmem:$0x1B100] =	vst v63  }
0x1a8: {  	v3 =	vld [tilespmem:$0x20];
	_ =	sdelay $0x4  }
0x1a9: {  	v48 =	vshrl.u32 v3, $0x3  }
0x1aa: {  	v4 =	vmul.u32 $0x30, v48  }
0x1ab: {  	v3 =	vand.u32 $0x7, v3  }
0x1ac: {  	v3 =	vor.u32 v3, v4  }
0x1ad: {  	v4 =	vperm.xlane v3, v0;
	_ =	sdelay $0x1  }
0x1ae: {  	v4 =	vadd.s32 v1, v4;
	_ =	sdelay $0x3  }
0x1af: {  	s30 =	simm.s32 $0x6100;
	v3 =	vperm.xlane v3, v2  }
0x1b0: {  	[tilespmem:s30], [sflag:$0x1] =	stream.indirect_vreg.gather [hbm4b:s4+s2], $0x80, v4, vm0, $0xb8;
	[tilespmem:$0x1B100] =	vst v63  }
0x1b1: {  	v3 =	vadd.s32 v1, v3  }
0x1b2: {  	[tilespmem:s17], [sflag:$0x1] =	stream.indirect_vreg.gather [hbm4b:s5+s2], $0x80, v4, vm0, $0xb8;
	[tilespmem:$0x1B100] =	vst v63  }
0x1b3: {  	_ = 	snop  }
0x1b4: {  	[tilespmem:s18], [sflag:$0x1] =	stream.indirect_vreg.gather [hbm4b:s6+s2], $0x80, v4, vm0, $0xb8;
	[tilespmem:$0x1B100] =	vst v63  }
0x1b5: {  	_ = 	snop  }
0x1b6: {  	[tilespmem:s1], [sflag:$0x1] =	stream.indirect_vreg.gather [hbm4b:s4+s2], $0x80, v3, vm0, $0xb8;
	[tilespmem:$0x1B100] =	vst v63  }
0x1b7: {  	_ = 	snop  }
0x1b8: {  	[tilespmem:s0], [sflag:$0x1] =	stream.indirect_vreg.gather [hbm4b:s5+s2], $0x80, v3, vm0, $0xb8;
	[tilespmem:$0x1B100] =	vst v63  }
0x1b9: {  	_ = 	snop  }
0x1ba: {  	[tilespmem:s19], [sflag:$0x1] =	stream.indirect_vreg.gather [hbm4b:s6+s2], $0x80, v3, vm0, $0xb8;
	[tilespmem:$0x1B100] =	vst v63  }
0x1bb: {  	v3 =	vld [tilespmem:$0x30];
	_ =	sdelay $0x4  }
0x1bc: {  	v49 =	vshrl.u32 v3, $0x3  }
0x1bd: {  	v4 =	vmul.u32 $0x30, v49  }
0x1be: {  	v3 =	vand.u32 $0x7, v3  }
0x1bf: {  	v3 =	vor.u32 v3, v4  }
0x1c0: {  	v4 =	vperm.xlane v3, v0;
	_ =	sdelay $0x1  }
0x1c1: {  	v4 =	vadd.s32 v1, v4;
	_ =	sdelay $0x3  }
0x1c2: {  	v3 =	vperm.xlane v3, v2  }
0x1c3: {  	[tilespmem:s20], [sflag:$0x1] =	stream.indirect_vreg.gather [hbm4b:s4+s2], $0x80, v4, vm0, $0xb8;
	[tilespmem:$0x1B100] =	vst v63  }
0x1c4: {  	v3 =	vadd.s32 v1, v3  }
0x1c5: {  	[tilespmem:s3], [sflag:$0x1] =	stream.indirect_vreg.gather [hbm4b:s5+s2], $0x80, v4, vm0, $0xb8;
	[tilespmem:$0x1B100] =	vst v63  }
0x1c6: {  	_ = 	snop  }
0x1c7: {  	[tilespmem:s9], [sflag:$0x1] =	stream.indirect_vreg.gather [hbm4b:s6+s2], $0x80, v4, vm0, $0xb8;
	[tilespmem:$0x1B100] =	vst v63  }
0x1c8: {  	_ = 	snop  }
0x1c9: {  	[tilespmem:s10], [sflag:$0x1] =	stream.indirect_vreg.gather [hbm4b:s4+s2], $0x80, v3, vm0, $0xb8;
	[tilespmem:$0x1B100] =	vst v63  }
0x1ca: {  	s31 =	simm.s32 $0xB100  }
0x1cb: {  	[tilespmem:s31], [sflag:$0x1] =	stream.indirect_vreg.gather [hbm4b:s5+s2], $0x80, v3, vm0, $0xb8;
	[tilespmem:$0x1B100] =	vst v63  }
0x1cc: {  	s22 =	simm.s32 $0xB900  }
0x1cd: {  	[tilespmem:s22], [sflag:$0x1] =	stream.indirect_vreg.gather [hbm4b:s6+s2], $0x80, v3, vm0, $0xb8;
	[tilespmem:$0x1B100] =	vst v63  }
0x1ce: {  	v3 =	vld [tilespmem:$0x40];
	_ =	sdelay $0x4  }
0x1cf: {  	v50 =	vshrl.u32 v3, $0x3  }
0x1d0: {  	v4 =	vmul.u32 $0x30, v50  }
0x1d1: {  	v3 =	vand.u32 $0x7, v3  }
0x1d2: {  	v3 =	vor.u32 v3, v4  }
0x1d3: {  	v4 =	vperm.xlane v3, v0;
	_ =	sdelay $0x1  }
0x1d4: {  	v4 =	vadd.s32 v1, v4;
	_ =	sdelay $0x3  }
0x1d5: {  	s23 =	simm.s32 $0xC100;
	v3 =	vperm.xlane v3, v2  }
0x1d6: {  	[tilespmem:s23], [sflag:$0x1] =	stream.indirect_vreg.gather [hbm4b:s4+s2], $0x80, v4, vm0, $0xb8;
	[tilespmem:$0x1B100] =	vst v63  }
0x1d7: {  	s24 =	simm.s32 $0xC900;
	v3 =	vadd.s32 v1, v3  }
0x1d8: {  	[tilespmem:s24], [sflag:$0x1] =	stream.indirect_vreg.gather [hbm4b:s5+s2], $0x80, v4, vm0, $0xb8;
	[tilespmem:$0x1B100] =	vst v63  }
0x1d9: {  	s25 =	simm.s32 $0xD100  }
0x1da: {  	[tilespmem:s25], [sflag:$0x1] =	stream.indirect_vreg.gather [hbm4b:s6+s2], $0x80, v4, vm0, $0xb8;
	[tilespmem:$0x1B100] =	vst v63  }
0x1db: {  	s26 =	simm.s32 $0xD900  }
0x1dc: {  	[tilespmem:s26], [sflag:$0x1] =	stream.indirect_vreg.gather [hbm4b:s4+s2], $0x80, v3, vm0, $0xb8;
	[tilespmem:$0x1B100] =	vst v63  }
0x1dd: {  	s28 =	simm.s32 $0xE100  }
0x1de: {  	[tilespmem:s28], [sflag:$0x1] =	stream.indirect_vreg.gather [hbm4b:s5+s2], $0x80, v3, vm0, $0xb8;
	[tilespmem:$0x1B100] =	vst v63  }
0x1df: {  	s29 =	simm.s32 $0xE900  }
0x1e0: {  	[tilespmem:s29], [sflag:$0x1] =	stream.indirect_vreg.gather [hbm4b:s6+s2], $0x80, v3, vm0, $0xb8;
	[tilespmem:$0x1B100] =	vst v63  }
0x1e1: {  	v3 =	vld [tilespmem:$0x50];
	_ =	sdelay $0x4  }
0x1e2: {  	v51 =	vshrl.u32 v3, $0x3  }
0x1e3: {  	v4 =	vmul.u32 $0x30, v51  }
0x1e4: {  	v3 =	vand.u32 $0x7, v3  }
0x1e5: {  	v3 =	vor.u32 v3, v4  }
0x1e6: {  	v4 =	vperm.xlane v3, v0;
	_ =	sdelay $0x1  }
0x1e7: {  	v4 =	vadd.s32 v1, v4;
	_ =	sdelay $0x3  }
0x1e8: {  	s30 =	simm.s32 $0xF100;
	v3 =	vperm.xlane v3, v2  }
0x1e9: {  	[tilespmem:s30], [sflag:$0x1] =	stream.indirect_vreg.gather [hbm4b:s4+s2], $0x80, v4, vm0, $0xb8;
	[tilespmem:$0x1B100] =	vst v63  }
0x1ea: {  	s25 =	simm.s32 $0xF900;
	v3 =	vadd.s32 v1, v3  }
0x1eb: {  	[tilespmem:s25], [sflag:$0x1] =	stream.indirect_vreg.gather [hbm4b:s5+s2], $0x80, v4, vm0, $0xb8;
	[tilespmem:$0x1B100] =	vst v63  }
0x1ec: {  	s26 =	simm.s32 $0x10100  }
0x1ed: {  	[tilespmem:s26], [sflag:$0x1] =	stream.indirect_vreg.gather [hbm4b:s6+s2], $0x80, v4, vm0, $0xb8;
	[tilespmem:$0x1B100] =	vst v63  }
0x1ee: {  	s28 =	simm.s32 $0x10900  }
0x1ef: {  	[tilespmem:s28], [sflag:$0x1] =	stream.indirect_vreg.gather [hbm4b:s4+s2], $0x80, v3, vm0, $0xb8;
	[tilespmem:$0x1B100] =	vst v63  }
0x1f0: {  	s29 =	simm.s32 $0x11100  }
0x1f1: {  	[tilespmem:s29], [sflag:$0x1] =	stream.indirect_vreg.gather [hbm4b:s5+s2], $0x80, v3, vm0, $0xb8;
	[tilespmem:$0x1B100] =	vst v63  }
0x1f2: {  	s30 =	simm.s32 $0x11900  }
0x1f3: {  	[tilespmem:s30], [sflag:$0x1] =	stream.indirect_vreg.gather [hbm4b:s6+s2], $0x80, v3, vm0, $0xb8;
	[tilespmem:$0x1B100] =	vst v63  }
0x1f4: {  	v3 =	vld [tilespmem:$0x60];
	_ =	sdelay $0x4  }
0x1f5: {  	v52 =	vshrl.u32 v3, $0x3  }
0x1f6: {  	v4 =	vmul.u32 $0x30, v52  }
0x1f7: {  	v3 =	vand.u32 $0x7, v3  }
0x1f8: {  	v3 =	vor.u32 v3, v4  }
0x1f9: {  	v4 =	vperm.xlane v3, v0;
	_ =	sdelay $0x1  }
0x1fa: {  	v4 =	vadd.s32 v1, v4;
	_ =	sdelay $0x3  }
0x1fb: {  	s30 =	simm.s32 $0x12100;
	v3 =	vperm.xlane v3, v2  }
0x1fc: {  	[tilespmem:s30], [sflag:$0x1] =	stream.indirect_vreg.gather [hbm4b:s4+s2], $0x80, v4, vm0, $0xb8;
	[tilespmem:$0x1B100] =	vst v63  }
0x1fd: {  	v3 =	vadd.s32 v1, v3;
	s30 =	simm.s32 $0x12900  }
0x1fe: {  	[tilespmem:s30], [sflag:$0x1] =	stream.indirect_vreg.gather [hbm4b:s5+s2], $0x80, v4, vm0, $0xb8;
	[tilespmem:$0x1B100] =	vst v63  }
0x1ff: {  	s16 =	simm.s32 $0x13100  }
0x200: {  	[tilespmem:s16], [sflag:$0x1] =	stream.indirect_vreg.gather [hbm4b:s6+s2], $0x80, v4, vm0, $0xb8;
	[tilespmem:$0x1B100] =	vst v63  }
0x201: {  	s16 =	simm.s32 $0x13900  }
0x202: {  	[tilespmem:s16], [sflag:$0x1] =	stream.indirect_vreg.gather [hbm4b:s4+s2], $0x80, v3, vm0, $0xb8;
	[tilespmem:$0x1B100] =	vst v63  }
0x203: {  	s16 =	simm.s32 $0x14100  }
0x204: {  	[tilespmem:s16], [sflag:$0x1] =	stream.indirect_vreg.gather [hbm4b:s5+s2], $0x80, v3, vm0, $0xb8;
	[tilespmem:$0x1B100] =	vst v63  }
0x205: {  	s16 =	simm.s32 $0x14900  }
0x206: {  	[tilespmem:s16], [sflag:$0x1] =	stream.indirect_vreg.gather [hbm4b:s6+s2], $0x80, v3, vm0, $0xb8;
	[tilespmem:$0x1B100] =	vst v63  }
0x207: {  	v3 =	vld [tilespmem:$0x70];
	_ =	sdelay $0x4  }
0x208: {  	v53 =	vshrl.u32 v3, $0x3  }
0x209: {  	v4 =	vmul.u32 $0x30, v53  }
0x20a: {  	v3 =	vand.u32 $0x7, v3  }
0x20b: {  	v3 =	vor.u32 v3, v4  }
0x20c: {  	v4 =	vperm.xlane v3, v0;
	_ =	sdelay $0x1  }
0x20d: {  	v4 =	vadd.s32 v1, v4;
	_ =	sdelay $0x3  }
0x20e: {  	s16 =	simm.s32 $0x15100;
	v3 =	vperm.xlane v3, v2  }
0x20f: {  	[tilespmem:s16], [sflag:$0x1] =	stream.indirect_vreg.gather [hbm4b:s4+s2], $0x80, v4, vm0, $0xb8;
	[tilespmem:$0x1B100] =	vst v63  }
0x210: {  	v3 =	vadd.s32 v1, v3;
	s16 =	simm.s32 $0x15900  }
0x211: {  	[tilespmem:s16], [sflag:$0x1] =	stream.indirect_vreg.gather [hbm4b:s5+s2], $0x80, v4, vm0, $0xb8;
	[tilespmem:$0x1B100] =	vst v63  }
0x212: {  	s16 =	simm.s32 $0x16100  }
0x213: {  	[tilespmem:s16], [sflag:$0x1] =	stream.indirect_vreg.gather [hbm4b:s6+s2], $0x80, v4, vm0, $0xb8;
	[tilespmem:$0x1B100] =	vst v63  }
0x214: {  	s16 =	simm.s32 $0x16900  }
0x215: {  	[tilespmem:s16], [sflag:$0x1] =	stream.indirect_vreg.gather [hbm4b:s4+s2], $0x80, v3, vm0, $0xb8;
	[tilespmem:$0x1B100] =	vst v63  }
0x216: {  	s16 =	simm.s32 $0x17100  }
0x217: {  	[tilespmem:s16], [sflag:$0x1] =	stream.indirect_vreg.gather [hbm4b:s5+s2], $0x80, v3, vm0, $0xb8;
	[tilespmem:$0x1B100] =	vst v63  }
0x218: {  	s16 =	simm.s32 $0x17900  }
0x219: {  	[tilespmem:s16], [sflag:$0x1] =	stream.indirect_vreg.gather [hbm4b:s6+s2], $0x80, v3, vm0, $0xb8;
	[tilespmem:$0x1B100] =	vst v63  }
0x21a: {  	v3 =	vld [tilespmem:$0x80];
	_ =	sdelay $0x4  }
0x21b: {  	v54 =	vshrl.u32 v3, $0x3  }
0x21c: {  	v4 =	vmul.u32 $0x30, v54  }
0x21d: {  	v3 =	vand.u32 $0x7, v3  }
0x21e: {  	v3 =	vor.u32 v3, v4  }
0x21f: {  	v4 =	vperm.xlane v3, v0;
	_ =	sdelay $0x1  }
0x220: {  	v4 =	vadd.s32 v1, v4;
	_ =	sdelay $0x3  }
0x221: {  	s16 =	simm.s32 $0x18100;
	v3 =	vperm.xlane v3, v2  }
0x222: {  	[tilespmem:s16], [sflag:$0x1] =	stream.indirect_vreg.gather [hbm4b:s4+s2], $0x80, v4, vm0, $0xb8;
	[tilespmem:$0x1B100] =	vst v63  }
0x223: {  	v3 =	vadd.s32 v1, v3;
	s16 =	simm.s32 $0x18900  }
0x224: {  	[tilespmem:s16], [sflag:$0x1] =	stream.indirect_vreg.gather [hbm4b:s5+s2], $0x80, v4, vm0, $0xb8;
	[tilespmem:$0x1B100] =	vst v63  }
0x225: {  	s16 =	simm.s32 $0x19100  }
0x226: {  	[tilespmem:s16], [sflag:$0x1] =	stream.indirect_vreg.gather [hbm4b:s6+s2], $0x80, v4, vm0, $0xb8;
	[tilespmem:$0x1B100] =	vst v63  }
0x227: {  	s16 =	simm.s32 $0x19900  }
0x228: {  	[tilespmem:s16], [sflag:$0x1] =	stream.indirect_vreg.gather [hbm4b:s4+s2], $0x80, v3, vm0, $0xb8;
	[tilespmem:$0x1B100] =	vst v63  }
0x229: {  	s16 =	simm.s32 $0x1A100  }
0x22a: {  	[tilespmem:s16], [sflag:$0x1] =	stream.indirect_vreg.gather [hbm4b:s5+s2], $0x80, v3, vm0, $0xb8;
	[tilespmem:$0x1B100] =	vst v63  }
0x22b: {  	s16 =	simm.s32 $0x1A900  }
0x22c: {  	[tilespmem:s16], [sflag:$0x1] =	stream.indirect_vreg.gather [hbm4b:s6+s2], $0x80, v3, vm0, $0xb8;
	[tilespmem:$0x1B100] =	vst v63  }
0x22d: {  	_ =	swait.ge [sflag:s15], $0x1B000  }
0x22e: {  	[sflag:s15] =	ssyncset.done $0x0  }
0x22f: {  	s16 =	rddreg [dreg:$0x7];
	[sflag:s15] =	ssyncadd.s32 $0xFFFE5000  }
0x230: {  	[hbm4b:s16+s2] =	stream.linear.scatter [tilespmem:s21], [sflag:$0x2], $0x1B000, $0x38;
	[tilespmem:$0x1B100] =	vst v63  }
0x231: {  	_ =	swait.ge [sflag:s8], $0x1B000  }
0x232: {  	[sflag:s8] =	ssyncset.done $0x0  }
0x233: {  	s16 =	rddreg [dreg:$0x8];
	[sflag:s8] =	ssyncadd.s32 $0xFFFE5000  }
0x234: {  	[tilespmem:s2], [sflag:$0x2] =	stream.linear.gather [hbm4b:s16+s2], $0x90, $0x38;
	[tilespmem:$0x1B100] =	vst v63  }
0x235: {  	_ =	swait.ge [sflag:s8], $0x90  }
0x236: {  	[sflag:s8] =	ssyncset.done $0x0  }
0x237: {  	[sflag:s8] =	ssyncadd.s32 $0xFFFFFF70  }
0x238: {  	v3 =	vld [tilespmem:$0x0];
	_ =	sdelay $0x4  }
0x239: {  	v55 =	vshrl.u32 v3, $0x3  }
0x23a: {  	v4 =	vmul.u32 $0x30, v55  }
0x23b: {  	v3 =	vand.u32 $0x7, v3  }
0x23c: {  	v3 =	vor.u32 v3, v4  }
0x23d: {  	v4 =	vperm.xlane v3, v0;
	_ =	sdelay $0x1  }
0x23e: {  	v4 =	vadd.s32 v1, v4;
	_ =	sdelay $0x3  }
0x23f: {  	v3 =	vperm.xlane v3, v2  }
0x240: {  	[tilespmem:s21], [sflag:$0x1] =	stream.indirect_vreg.gather [hbm4b:s4+s2], $0x80, v4, vm0, $0xb8;
	[tilespmem:$0x1B100] =	vst v63  }
0x241: {  	s16 =	simm.s32 $0x900;
	v3 =	vadd.s32 v1, v3  }
0x242: {  	[tilespmem:s16], [sflag:$0x1] =	stream.indirect_vreg.gather [hbm4b:s5+s2], $0x80, v4, vm0, $0xb8;
	[tilespmem:$0x1B100] =	vst v63  }
0x243: {  	s16 =	simm.s32 $0x1100  }
0x244: {  	[tilespmem:s16], [sflag:$0x1] =	stream.indirect_vreg.gather [hbm4b:s6+s2], $0x80, v4, vm0, $0xb8;
	[tilespmem:$0x1B100] =	vst v63  }
0x245: {  	s16 =	simm.s32 $0x1900  }
0x246: {  	[tilespmem:s16], [sflag:$0x1] =	stream.indirect_vreg.gather [hbm4b:s4+s2], $0x80, v3, vm0, $0xb8;
	[tilespmem:$0x1B100] =	vst v63  }
0x247: {  	s16 =	simm.s32 $0x2100  }
0x248: {  	[tilespmem:s16], [sflag:$0x1] =	stream.indirect_vreg.gather [hbm4b:s5+s2], $0x80, v3, vm0, $0xb8;
	[tilespmem:$0x1B100] =	vst v63  }
0x249: {  	s16 =	simm.s32 $0x2900  }
0x24a: {  	[tilespmem:s16], [sflag:$0x1] =	stream.indirect_vreg.gather [hbm4b:s6+s2], $0x80, v3, vm0, $0xb8;
	[tilespmem:$0x1B100] =	vst v63  }
0x24b: {  	v3 =	vld [tilespmem:$0x10];
	_ =	sdelay $0x4  }
0x24c: {  	v56 =	vshrl.u32 v3, $0x3  }
0x24d: {  	v4 =	vmul.u32 $0x30, v56  }
0x24e: {  	v3 =	vand.u32 $0x7, v3  }
0x24f: {  	v3 =	vor.u32 v3, v4  }
0x250: {  	v4 =	vperm.xlane v3, v0;
	_ =	sdelay $0x1  }
0x251: {  	v4 =	vadd.s32 v1, v4;
	_ =	sdelay $0x3  }
0x252: {  	s16 =	simm.s32 $0x3100;
	v3 =	vperm.xlane v3, v2  }
0x253: {  	[tilespmem:s16], [sflag:$0x1] =	stream.indirect_vreg.gather [hbm4b:s4+s2], $0x80, v4, vm0, $0xb8;
	[tilespmem:$0x1B100] =	vst v63  }
0x254: {  	s11 =	simm.s32 $0x3900;
	v3 =	vadd.s32 v1, v3  }
0x255: {  	[tilespmem:s11], [sflag:$0x1] =	stream.indirect_vreg.gather [hbm4b:s5+s2], $0x80, v4, vm0, $0xb8;
	[tilespmem:$0x1B100] =	vst v63  }
0x256: {  	s12 =	simm.s32 $0x4100  }
0x257: {  	[tilespmem:s12], [sflag:$0x1] =	stream.indirect_vreg.gather [hbm4b:s6+s2], $0x80, v4, vm0, $0xb8;
	[tilespmem:$0x1B100] =	vst v63  }
0x258: {  	s13 =	simm.s32 $0x4900  }
0x259: {  	[tilespmem:s13], [sflag:$0x1] =	stream.indirect_vreg.gather [hbm4b:s4+s2], $0x80, v3, vm0, $0xb8;
	[tilespmem:$0x1B100] =	vst v63  }
0x25a: {  	s14 =	simm.s32 $0x5100  }
0x25b: {  	[tilespmem:s14], [sflag:$0x1] =	stream.indirect_vreg.gather [hbm4b:s5+s2], $0x80, v3, vm0, $0xb8;
	[tilespmem:$0x1B100] =	vst v63  }
0x25c: {  	s14 =	simm.s32 $0x5900  }
0x25d: {  	[tilespmem:s14], [sflag:$0x1] =	stream.indirect_vreg.gather [hbm4b:s6+s2], $0x80, v3, vm0, $0xb8;
	[tilespmem:$0x1B100] =	vst v63  }
0x25e: {  	v3 =	vld [tilespmem:$0x20];
	_ =	sdelay $0x4  }
0x25f: {  	v57 =	vshrl.u32 v3, $0x3  }
0x260: {  	v4 =	vmul.u32 $0x30, v57  }
0x261: {  	v3 =	vand.u32 $0x7, v3  }
0x262: {  	v3 =	vor.u32 v3, v4  }
0x263: {  	v4 =	vperm.xlane v3, v0;
	_ =	sdelay $0x1  }
0x264: {  	v4 =	vadd.s32 v1, v4;
	_ =	sdelay $0x3  }
0x265: {  	s16 =	simm.s32 $0x6100;
	v3 =	vperm.xlane v3, v2  }
0x266: {  	[tilespmem:s16], [sflag:$0x1] =	stream.indirect_vreg.gather [hbm4b:s4+s2], $0x80, v4, vm0, $0xb8;
	[tilespmem:$0x1B100] =	vst v63  }
0x267: {  	s17 =	simm.s32 $0x6900;
	v3 =	vadd.s32 v1, v3  }
0x268: {  	[tilespmem:s17], [sflag:$0x1] =	stream.indirect_vreg.gather [hbm4b:s5+s2], $0x80, v4, vm0, $0xb8;
	[tilespmem:$0x1B100] =	vst v63  }
0x269: {  	s18 =	simm.s32 $0x7100  }
0x26a: {  	[tilespmem:s18], [sflag:$0x1] =	stream.indirect_vreg.gather [hbm4b:s6+s2], $0x80, v4, vm0, $0xb8;
	[tilespmem:$0x1B100] =	vst v63  }
0x26b: {  	s1 =	simm.s32 $0x7900  }
0x26c: {  	[tilespmem:s1], [sflag:$0x1] =	stream.indirect_vreg.gather [hbm4b:s4+s2], $0x80, v3, vm0, $0xb8;
	[tilespmem:$0x1B100] =	vst v63  }
0x26d: {  	s0 =	simm.s32 $0x8100  }
0x26e: {  	[tilespmem:s0], [sflag:$0x1] =	stream.indirect_vreg.gather [hbm4b:s5+s2], $0x80, v3, vm0, $0xb8;
	[tilespmem:$0x1B100] =	vst v63  }
0x26f: {  	s19 =	simm.s32 $0x8900  }
0x270: {  	[tilespmem:s19], [sflag:$0x1] =	stream.indirect_vreg.gather [hbm4b:s6+s2], $0x80, v3, vm0, $0xb8;
	[tilespmem:$0x1B100] =	vst v63  }
0x271: {  	v3 =	vld [tilespmem:$0x30];
	_ =	sdelay $0x4  }
0x272: {  	v58 =	vshrl.u32 v3, $0x3  }
0x273: {  	v4 =	vmul.u32 $0x30, v58  }
0x274: {  	v3 =	vand.u32 $0x7, v3  }
0x275: {  	v3 =	vor.u32 v3, v4  }
0x276: {  	v4 =	vperm.xlane v3, v0;
	_ =	sdelay $0x1  }
0x277: {  	v4 =	vadd.s32 v1, v4;
	_ =	sdelay $0x3  }
0x278: {  	s20 =	simm.s32 $0x9100;
	v3 =	vperm.xlane v3, v2  }
0x279: {  	[tilespmem:s20], [sflag:$0x1] =	stream.indirect_vreg.gather [hbm4b:s4+s2], $0x80, v4, vm0, $0xb8;
	[tilespmem:$0x1B100] =	vst v63  }
0x27a: {  	s3 =	simm.s32 $0x9900;
	v3 =	vadd.s32 v1, v3  }
0x27b: {  	[tilespmem:s3], [sflag:$0x1] =	stream.indirect_vreg.gather [hbm4b:s5+s2], $0x80, v4, vm0, $0xb8;
	[tilespmem:$0x1B100] =	vst v63  }
0x27c: {  	s9 =	simm.s32 $0xA100  }
0x27d: {  	[tilespmem:s9], [sflag:$0x1] =	stream.indirect_vreg.gather [hbm4b:s6+s2], $0x80, v4, vm0, $0xb8;
	[tilespmem:$0x1B100] =	vst v63  }
0x27e: {  	s10 =	simm.s32 $0xA900  }
0x27f: {  	[tilespmem:s10], [sflag:$0x1] =	stream.indirect_vreg.gather [hbm4b:s4+s2], $0x80, v3, vm0, $0xb8;
	[tilespmem:$0x1B100] =	vst v63  }
0x280: {  	s19 =	simm.s32 $0xB100  }
0x281: {  	[tilespmem:s19], [sflag:$0x1] =	stream.indirect_vreg.gather [hbm4b:s5+s2], $0x80, v3, vm0, $0xb8;
	[tilespmem:$0x1B100] =	vst v63  }
0x282: {  	s20 =	simm.s32 $0xB900  }
0x283: {  	[tilespmem:s20], [sflag:$0x1] =	stream.indirect_vreg.gather [hbm4b:s6+s2], $0x80, v3, vm0, $0xb8;
	[tilespmem:$0x1B100] =	vst v63  }
0x284: {  	v3 =	vld [tilespmem:$0x40];
	_ =	sdelay $0x4  }
0x285: {  	v59 =	vshrl.u32 v3, $0x3  }
0x286: {  	v4 =	vmul.u32 $0x30, v59  }
0x287: {  	v3 =	vand.u32 $0x7, v3  }
0x288: {  	v3 =	vor.u32 v3, v4  }
0x289: {  	v4 =	vperm.xlane v3, v0;
	_ =	sdelay $0x1  }
0x28a: {  	v4 =	vadd.s32 v1, v4;
	_ =	sdelay $0x3  }
0x28b: {  	s1 =	simm.s32 $0xC100;
	v3 =	vperm.xlane v3, v2  }
0x28c: {  	[tilespmem:s1], [sflag:$0x1] =	stream.indirect_vreg.gather [hbm4b:s4+s2], $0x80, v4, vm0, $0xb8;
	[tilespmem:$0x1B100] =	vst v63  }
0x28d: {  	s31 =	simm.s32 $0xC900;
	v3 =	vadd.s32 v1, v3  }
0x28e: {  	[tilespmem:s31], [sflag:$0x1] =	stream.indirect_vreg.gather [hbm4b:s5+s2], $0x80, v4, vm0, $0xb8;
	[tilespmem:$0x1B100] =	vst v63  }
0x28f: {  	s22 =	simm.s32 $0xD100  }
0x290: {  	[tilespmem:s22], [sflag:$0x1] =	stream.indirect_vreg.gather [hbm4b:s6+s2], $0x80, v4, vm0, $0xb8;
	[tilespmem:$0x1B100] =	vst v63  }
0x291: {  	s23 =	simm.s32 $0xD900  }
0x292: {  	[tilespmem:s23], [sflag:$0x1] =	stream.indirect_vreg.gather [hbm4b:s4+s2], $0x80, v3, vm0, $0xb8;
	[tilespmem:$0x1B100] =	vst v63  }
0x293: {  	s24 =	simm.s32 $0xE100  }
0x294: {  	[tilespmem:s24], [sflag:$0x1] =	stream.indirect_vreg.gather [hbm4b:s5+s2], $0x80, v3, vm0, $0xb8;
	[tilespmem:$0x1B100] =	vst v63  }
0x295: {  	s3 =	simm.s32 $0xE900  }
0x296: {  	[tilespmem:s3], [sflag:$0x1] =	stream.indirect_vreg.gather [hbm4b:s6+s2], $0x80, v3, vm0, $0xb8;
	[tilespmem:$0x1B100] =	vst v63  }
0x297: {  	v3 =	vld [tilespmem:$0x50];
	_ =	sdelay $0x4  }
0x298: {  	v60 =	vshrl.u32 v3, $0x3  }
0x299: {  	v4 =	vmul.u32 $0x30, v60  }
0x29a: {  	v3 =	vand.u32 $0x7, v3  }
0x29b: {  	v3 =	vor.u32 v3, v4  }
0x29c: {  	v4 =	vperm.xlane v3, v0;
	_ =	sdelay $0x1  }
0x29d: {  	v4 =	vadd.s32 v1, v4;
	_ =	sdelay $0x3  }
0x29e: {  	s9 =	simm.s32 $0xF100;
	v3 =	vperm.xlane v3, v2  }
0x29f: {  	[tilespmem:s9], [sflag:$0x1] =	stream.indirect_vreg.gather [hbm4b:s4+s2], $0x80, v4, vm0, $0xb8;
	[tilespmem:$0x1B100] =	vst v63  }
0x2a0: {  	s25 =	simm.s32 $0xF900;
	v3 =	vadd.s32 v1, v3  }
0x2a1: {  	[tilespmem:s25], [sflag:$0x1] =	stream.indirect_vreg.gather [hbm4b:s5+s2], $0x80, v4, vm0, $0xb8;
	[tilespmem:$0x1B100] =	vst v63  }
0x2a2: {  	s26 =	simm.s32 $0x10100  }
0x2a3: {  	[tilespmem:s26], [sflag:$0x1] =	stream.indirect_vreg.gather [hbm4b:s6+s2], $0x80, v4, vm0, $0xb8;
	[tilespmem:$0x1B100] =	vst v63  }
0x2a4: {  	s28 =	simm.s32 $0x10900  }
0x2a5: {  	[tilespmem:s28], [sflag:$0x1] =	stream.indirect_vreg.gather [hbm4b:s4+s2], $0x80, v3, vm0, $0xb8;
	[tilespmem:$0x1B100] =	vst v63  }
0x2a6: {  	s29 =	simm.s32 $0x11100  }
0x2a7: {  	[tilespmem:s29], [sflag:$0x1] =	stream.indirect_vreg.gather [hbm4b:s5+s2], $0x80, v3, vm0, $0xb8;
	[tilespmem:$0x1B100] =	vst v63  }
0x2a8: {  	s10 =	simm.s32 $0x11900  }
0x2a9: {  	[tilespmem:s10], [sflag:$0x1] =	stream.indirect_vreg.gather [hbm4b:s6+s2], $0x80, v3, vm0, $0xb8;
	[tilespmem:$0x1B100] =	vst v63  }
0x2aa: {  	v3 =	vld [tilespmem:$0x60];
	_ =	sdelay $0x4  }
0x2ab: {  	v61 =	vshrl.u32 v3, $0x3  }
0x2ac: {  	v4 =	vmul.u32 $0x30, v61  }
0x2ad: {  	v3 =	vand.u32 $0x7, v3  }
0x2ae: {  	v3 =	vor.u32 v3, v4  }
0x2af: {  	v4 =	vperm.xlane v3, v0;
	_ =	sdelay $0x1  }
0x2b0: {  	v4 =	vadd.s32 v1, v4;
	_ =	sdelay $0x3  }
0x2b1: {  	s11 =	simm.s32 $0x12100;
	v3 =	vperm.xlane v3, v2  }
0x2b2: {  	[tilespmem:s11], [sflag:$0x1] =	stream.indirect_vreg.gather [hbm4b:s4+s2], $0x80, v4, vm0, $0xb8;
	[tilespmem:$0x1B100] =	vst v63  }
0x2b3: {  	s30 =	simm.s32 $0x12900;
	v3 =	vadd.s32 v1, v3  }
0x2b4: {  	[tilespmem:s30], [sflag:$0x1] =	stream.indirect_vreg.gather [hbm4b:s5+s2], $0x80, v4, vm0, $0xb8;
	[tilespmem:$0x1B100] =	vst v63  }
0x2b5: {  	s12 =	simm.s32 $0x13100  }
0x2b6: {  	[tilespmem:s12], [sflag:$0x1] =	stream.indirect_vreg.gather [hbm4b:s6+s2], $0x80, v4, vm0, $0xb8;
	[tilespmem:$0x1B100] =	vst v63  }
0x2b7: {  	s13 =	simm.s32 $0x13900  }
0x2b8: {  	[tilespmem:s13], [sflag:$0x1] =	stream.indirect_vreg.gather [hbm4b:s4+s2], $0x80, v3, vm0, $0xb8;
	[tilespmem:$0x1B100] =	vst v63  }
0x2b9: {  	s14 =	simm.s32 $0x14100  }
0x2ba: {  	[tilespmem:s14], [sflag:$0x1] =	stream.indirect_vreg.gather [hbm4b:s5+s2], $0x80, v3, vm0, $0xb8;
	[tilespmem:$0x1B100] =	vst v63  }
0x2bb: {  	s16 =	simm.s32 $0x14900  }
0x2bc: {  	[tilespmem:s16], [sflag:$0x1] =	stream.indirect_vreg.gather [hbm4b:s6+s2], $0x80, v3, vm0, $0xb8;
	[tilespmem:$0x1B100] =	vst v63  }
0x2bd: {  	v3 =	vld [tilespmem:$0x70];
	_ =	sdelay $0x4  }
0x2be: {  	v62 =	vshrl.u32 v3, $0x3  }
0x2bf: {  	v4 =	vmul.u32 $0x30, v62  }
0x2c0: {  	v3 =	vand.u32 $0x7, v3  }
0x2c1: {  	v3 =	vor.u32 v3, v4  }
0x2c2: {  	v4 =	vperm.xlane v3, v0;
	_ =	sdelay $0x1  }
0x2c3: {  	v4 =	vadd.s32 v1, v4;
	_ =	sdelay $0x3  }
0x2c4: {  	s17 =	simm.s32 $0x15100;
	v3 =	vperm.xlane v3, v2  }
0x2c5: {  	[tilespmem:s17], [sflag:$0x1] =	stream.indirect_vreg.gather [hbm4b:s4+s2], $0x80, v4, vm0, $0xb8;
	[tilespmem:$0x1B100] =	vst v63  }
0x2c6: {  	s18 =	simm.s32 $0x15900;
	v3 =	vadd.s32 v1, v3  }
0x2c7: {  	[tilespmem:s18], [sflag:$0x1] =	stream.indirect_vreg.gather [hbm4b:s5+s2], $0x80, v4, vm0, $0xb8;
	[tilespmem:$0x1B100] =	vst v63  }
0x2c8: {  	s19 =	simm.s32 $0x16100  }
0x2c9: {  	[tilespmem:s19], [sflag:$0x1] =	stream.indirect_vreg.gather [hbm4b:s6+s2], $0x80, v4, vm0, $0xb8;
	[tilespmem:$0x1B100] =	vst v63  }
0x2ca: {  	s20 =	simm.s32 $0x16900  }
0x2cb: {  	[tilespmem:s20], [sflag:$0x1] =	stream.indirect_vreg.gather [hbm4b:s4+s2], $0x80, v3, vm0, $0xb8;
	[tilespmem:$0x1B100] =	vst v63  }
0x2cc: {  	s22 =	simm.s32 $0x17100  }
0x2cd: {  	[tilespmem:s22], [sflag:$0x1] =	stream.indirect_vreg.gather [hbm4b:s5+s2], $0x80, v3, vm0, $0xb8;
	[tilespmem:$0x1B100] =	vst v63  }
0x2ce: {  	s23 =	simm.s32 $0x17900  }
0x2cf: {  	[tilespmem:s23], [sflag:$0x1] =	stream.indirect_vreg.gather [hbm4b:s6+s2], $0x80, v3, vm0, $0xb8;
	[tilespmem:$0x1B100] =	vst v63  }
0x2d0: {  	v3 =	vld [tilespmem:$0x80];
	_ =	sdelay $0x4  }
0x2d1: {  	v63 =	vshrl.u32 v3, $0x3  }
0x2d2: {  	v4 =	vmul.u32 $0x30, v63  }
0x2d3: {  	v3 =	vand.u32 $0x7, v3  }
0x2d4: {  	v3 =	vor.u32 v3, v4  }
0x2d5: {  	v4 =	vperm.xlane v3, v0;
	_ =	sdelay $0x1  }
0x2d6: {  	v4 =	vadd.s32 v1, v4;
	_ =	sdelay $0x3  }
0x2d7: {  	s24 =	simm.s32 $0x18100;
	v3 =	vperm.xlane v3, v2  }
0x2d8: {  	[tilespmem:s24], [sflag:$0x1] =	stream.indirect_vreg.gather [hbm4b:s4+s2], $0x80, v4, vm0, $0xb8;
	[tilespmem:$0x1B100] =	vst v63  }
0x2d9: {  	s25 =	simm.s32 $0x18900;
	v3 =	vadd.s32 v1, v3  }
0x2da: {  	[tilespmem:s25], [sflag:$0x1] =	stream.indirect_vreg.gather [hbm4b:s5+s2], $0x80, v4, vm0, $0xb8;
	[tilespmem:$0x1B100] =	vst v63  }
0x2db: {  	s26 =	simm.s32 $0x19100  }
0x2dc: {  	[tilespmem:s26], [sflag:$0x1] =	stream.indirect_vreg.gather [hbm4b:s6+s2], $0x80, v4, vm0, $0xb8;
	[tilespmem:$0x1B100] =	vst v63  }
0x2dd: {  	s28 =	simm.s32 $0x19900  }
0x2de: {  	[tilespmem:s28], [sflag:$0x1] =	stream.indirect_vreg.gather [hbm4b:s4+s2], $0x80, v3, vm0, $0xb8;
	[tilespmem:$0x1B100] =	vst v63  }
0x2df: {  	s29 =	simm.s32 $0x1A100  }
0x2e0: {  	[tilespmem:s29], [sflag:$0x1] =	stream.indirect_vreg.gather [hbm4b:s5+s2], $0x80, v3, vm0, $0xb8;
	[tilespmem:$0x1B100] =	vst v63  }
0x2e1: {  	s30 =	simm.s32 $0x1A900  }
0x2e2: {  	[tilespmem:s30], [sflag:$0x1] =	stream.indirect_vreg.gather [hbm4b:s6+s2], $0x80, v3, vm0, $0xb8;
	[tilespmem:$0x1B100] =	vst v63  }
0x2e3: {  	_ =	swait.ge [sflag:s15], $0x1B000  }
0x2e4: {  	p0 =	sne.s32 s7, $0x1;
	[sflag:s15] =	ssyncset.done $0x0  }
.Ltmp0:
0x2e5: {  	s31 =	rddreg [dreg:$0x9];
	[sflag:s15] =	ssyncadd.s32 $0xFFFE5000;
	(pc) =	sbr.rel @p0 .LBB2_1-.Ltmp0, $4  }
0x2e6: {  	[hbm4b:s31+s2] =	stream.linear.scatter [tilespmem:s21], [sflag:$0x2], $0x1B000, $0x38;
	[tilespmem:$0x1B100] =	vst v63  }
0x2e7: {  	_ =	swait.ge [sflag:s8], $0x1B000  }
0x2e8: {  	[sflag:s8] =	ssyncset.done $0x0  }
0x2e9: {  	s7 =	sadd.s32 $0xFFFFFFFF, s7;
	[sflag:s8] =	ssyncadd.s32 $0xFFFE5000  }
0x2ea: {  	_ =	sfence.sel $0x180000  }
0x2eb: {  	[bflag:$0x0] =	sbarrier.arrive $0xFFFF  }
0x2ec: {  	_ =	strace $0x90000047  }
0x2ed: {  	s0 =	stileid.u32;
	[bflag:$0x2] =	sbarrier.arrive $0xFFFF  }
0x2ee: {  	p0 =	sne.s32 s0, $0x0;
	s0 =	rddreg [dreg:$0x2]  }
0x2ef: {  	s0 =	sadd.s32 @!p0 $0x100000, s0  }
0x2f0: {  	[sflag:s0] =	ssyncadd.tile.s32 @!p0 $0x1;
	_ =	shalt  }
.Lfunc_end2:
_tile_overlayer_lowered:
.L_overlay_start_2:
0x2f1: {  	(tag) =	ssettag $0x2  }
0x2f2: {  	s0 =	rddreg [dreg:$0x0];
	s2 =	stileid.u32  }
0x2f3: {  	s1 =	rddreg [dreg:$0x1];
	p0 =	sne.s32 s2, $0x0  }
0x2f4: {  	s3 =	rddreg [dreg:$0x2];
	[bflag:$0x3] =	sbarrier.arrive $0xFFFF;
	s2 =	simm.s32 @!p0 $0x1C02  }
0x2f5: {  	[timem:s3], [sflag:s2] =	dma.local @!p0 [hbm:s0], s1  }
0x2f6: {  	s0 =	simm.s32 @!p0 $0x2  }
0x2f7: {  	_ =	swait.ge @!p0 [sflag:s0], s1  }
0x2f8: {  	s1 =	ssub.s32 @!p0 $0x0, s1;
	[sflag:s0] =	ssyncset.done @!p0 $0x0  }
0x2f9: {  	[sflag:s0] =	ssyncadd.s32 @!p0 s1  }
0x2fa: {  	[bflag:$0x3] =	sbarrier.arrive $0xFFFF  }
0x2fb: {  	_ =	shalt  }

</sc_bundles>
